<compile_context>
chip_gen: v7x
topology: tpu7x:2x2x1
jax: 0.10.2.dev20260603
libtpu: 0.0.44.dev20260713+nightly
codegen_flags: <defaults>
</compile_context>

<pallas_src>
import functools
import math

import jax
import jax.numpy as jnp
from jax import lax
from jax.experimental import pallas as pl
from jax.experimental.pallas import tpu as pltpu
import jax.experimental.pallas.tpu_sc as plsc

N_IN = 1000000
NPAD = 1 << 20
NROWS = NPAD // 128
BETA = 2.0 / 3.0
BIAS = -BETA * math.log(0.1 / 1.1)

NW = 32
PER_W = NPAD // NW
CHUNK = 32768
NCHUNK = PER_W // CHUNK
NB = 1024
HL = NB * 16

BLK0 = 512
GRID0 = NROWS // BLK0


def _sigmoid(z):
    return 1.0 / (1.0 + jnp.exp(-z))


def _k0_body(x_ref, bits_ref, l0_ref, acc_ref):
    pid = pl.program_id(0)

    @pl.when(pid == 0)
    def _():
        acc_ref[0] = 0.0

    x = x_ref[...]
    s1 = _sigmoid(x + BIAS)
    r = lax.broadcasted_iota(jnp.int32, (BLK0, 128), 0)
    c = lax.broadcasted_iota(jnp.int32, (BLK0, 128), 1)
    flat = (pid * BLK0 + r) * 128 + c
    s1 = jnp.where(flat < N_IN, s1, 0.0)
    acc_ref[0] += jnp.sum(s1)
    bits_ref[...] = lax.bitcast_convert_type(_sigmoid((x / BETA) * 0.8),
                                             jnp.int32)

    @pl.when(pid == pl.num_programs(0) - 1)
    def _():
        l0_ref[0] = acc_ref[0]


def _k0(x2d):
    return pl.pallas_call(
        _k0_body,
        grid=(GRID0,),
        in_specs=[pl.BlockSpec((BLK0, 128), lambda i: (i, 0))],
        out_specs=[
            pl.BlockSpec((BLK0, 128), lambda i: (i, 0)),
            pl.BlockSpec(memory_space=pltpu.SMEM),
        ],
        out_shape=[
            jax.ShapeDtypeStruct((NROWS, 128), jnp.int32),
            jax.ShapeDtypeStruct((1,), jnp.float32),
        ],
        scratch_shapes=[pltpu.SMEM((1,), jnp.float32)],
    )(x2d)


_SC_MESH = plsc.VectorSubcoreMesh(
    core_axis_name="c", subcore_axis_name="s", num_cores=2, num_subcores=16)


def _hist_level(shift, masked):

    def body(bits_hbm, pvec_hbm, hist_hbm, buf, hist, pv):
        wid = lax.axis_index("s") * 2 + lax.axis_index("c")
        zeros16 = jnp.zeros((16,), jnp.int32)
        ones16 = jnp.ones((16,), jnp.int32)
        lane = lax.iota(jnp.int32, 16)

        def zb(i, carry):
            for j in range(8):
                hist[pl.ds(i * 128 + j * 16, 16)] = zeros16
            return carry

        lax.fori_loop(0, HL // 128, zb, 0)

        if masked:
            pltpu.sync_copy(pvec_hbm, pv)
            pvx = pv[...]
        base = wid * PER_W

        pltpu.sync_copy(bits_hbm.at[pl.ds(base, PER_W)], buf)

        def vb(vi, c2):
            for j in range(4):
                u = buf[pl.ds(vi * 64 + j * 16, 16)]
                b = jnp.bitwise_and(jnp.right_shift(u, shift), NB - 1)
                idx = b * 16 + lane
                if masked:
                    m = jnp.right_shift(u, shift + 10) == pvx
                    plsc.addupdate_scatter(hist, [idx], ones16, mask=m)
                else:
                    plsc.addupdate_scatter(hist, [idx], ones16)
            return c2

        lax.fori_loop(0, PER_W // 64, vb, 0)
        pltpu.sync_copy(hist, hist_hbm.at[wid])

    scratch = [
        pltpu.VMEM((PER_W,), jnp.int32),
        pltpu.VMEM((HL,), jnp.int32),
        pltpu.VMEM((16,), jnp.int32),
    ]
    return pl.kernel(
        body,
        out_type=jax.ShapeDtypeStruct((NW, HL), jnp.int32),
        mesh=_SC_MESH,
        scratch_types=scratch,
        compiler_params=pltpu.CompilerParams(needs_layout_passes=False),
    )


_hist_l0 = _hist_level(20, False)
_hist_l1 = _hist_level(10, True)
_hist_l2 = _hist_level(0, True)


def _triangulars(n):
    r = lax.broadcasted_iota(jnp.int32, (n, n), 0)
    c = lax.broadcasted_iota(jnp.int32, (n, n), 1)
    upper = (r < c).astype(jnp.float32)
    lower = (c < r).astype(jnp.float32)
    return upper, lower


def _select_body(first, h_ref, l0_ref, st_ref, out_ref, pvec_ref):
    h = jnp.sum(h_ref[...].astype(jnp.float32), axis=0)
    up, lo = _triangulars(128)
    inrow = jnp.dot(h, up, preferred_element_type=jnp.float32,
                    precision=lax.Precision.HIGHEST)
    rowsum = jnp.sum(h, axis=1, keepdims=True)
    rowoffs = jnp.dot(lo, rowsum, preferred_element_type=jnp.float32,
                      precision=lax.Precision.HIGHEST)
    cum_excl = rowoffs + inrow
    cum_incl = cum_excl + h

    if first:
        kf = jnp.clip(jnp.round(jnp.float32(N_IN) - l0_ref[0]), 0.0,
                      jnp.float32(N_IN))
        k_rem = kf.astype(jnp.int32)
    else:
        k_rem = st_ref[0]
    prefix = st_ref[1]

    r = lax.broadcasted_iota(jnp.int32, (128, 128), 0)
    c = lax.broadcasted_iota(jnp.int32, (128, 128), 1)
    fpos = r * 128 + c
    lane_end = jnp.bitwise_and(fpos, 15) == 15
    sel = lane_end & (cum_incl >= k_rem.astype(jnp.float32))
    bkt = jnp.min(jnp.where(sel, jnp.right_shift(fpos, 4),
                            jnp.int32(1 << 30)))
    clb = jnp.sum(jnp.where(fpos == bkt * 16, cum_excl, 0.0))

    out_ref[0] = k_rem - clb.astype(jnp.int32)
    p_out = prefix * NB + bkt
    out_ref[1] = p_out
    for i in range(16):
        pvec_ref[i] = p_out


def _select(first):
    return pl.pallas_call(
        functools.partial(_select_body, first),
        in_specs=[
            pl.BlockSpec(memory_space=pltpu.VMEM),
            pl.BlockSpec(memory_space=pltpu.SMEM),
            pl.BlockSpec(memory_space=pltpu.SMEM),
        ],
        out_specs=[
            pl.BlockSpec(memory_space=pltpu.SMEM),
            pl.BlockSpec(memory_space=pltpu.SMEM),
        ],
        out_shape=[
            jax.ShapeDtypeStruct((8,), jnp.int32),
            jax.ShapeDtypeStruct((16,), jnp.int32),
        ],
    )


def _k7_body(bits_ref, st_ref, out_ref, carry_ref):
    pid = pl.program_id(0)

    @pl.when(pid == 0)
    def _():
        carry_ref[0] = 0.0

    rr = st_ref[0]
    thr = st_ref[1]
    u = bits_ref[...]
    s = lax.bitcast_convert_type(u, jnp.float32)
    eq = u == thr
    eqf = eq.astype(jnp.float32)
    up128, _ = _triangulars(128)
    _, lo512 = _triangulars(BLK0)
    inrow = jnp.dot(eqf, up128, preferred_element_type=jnp.float32,
                    precision=lax.Precision.HIGHEST)
    rowsum = jnp.sum(eqf, axis=1, keepdims=True)
    rowoffs = jnp.dot(lo512, rowsum, preferred_element_type=jnp.float32,
                      precision=lax.Precision.HIGHEST)
    pre = carry_ref[0] + rowoffs + inrow
    zero = (u < thr) | (eq & (pre < rr.astype(jnp.float32)))
    out_ref[...] = jnp.where(zero, 0.0, s)
    carry_ref[0] += jnp.sum(eqf)


def _k7(bits2d, state):
    return pl.pallas_call(
        _k7_body,
        grid=(GRID0,),
        in_specs=[
            pl.BlockSpec((BLK0, 128), lambda i: (i, 0)),
            pl.BlockSpec(memory_space=pltpu.SMEM),
        ],
        out_specs=pl.BlockSpec((BLK0, 128), lambda i: (i, 0)),
        out_shape=jax.ShapeDtypeStruct((NROWS, 128), jnp.float32),
        scratch_shapes=[pltpu.SMEM((1,), jnp.float32)],
    )(bits2d, state)


@jax.jit
def kernel(log_alpha):
    xpad = jnp.pad(log_alpha, (0, NPAD - N_IN), constant_values=200.0)
    x2d = xpad.reshape(NROWS, 128)
    bits2d, l0 = _k0(x2d)
    bits1d = bits2d.reshape(NPAD)
    zvec = jnp.zeros((16,), jnp.int32)

    h0 = _hist_l0(bits1d, zvec)
    st, pv = _select(True)(h0.reshape(NW, 128, 128), l0, jnp.zeros((8,), jnp.int32))
    h1 = _hist_l1(bits1d, pv)
    st, pv = _select(False)(h1.reshape(NW, 128, 128), l0, st)
    h2 = _hist_l2(bits1d, pv)
    st, pv = _select(False)(h2.reshape(NW, 128, 128), l0, st)

    out2d = _k7(bits2d, st)
    return out2d.reshape(NPAD)[:N_IN]

# --- scband reference (transcript-rebuilt; emitter-appended) ---
"""Pipeline reference for scband-hard-concrete-94489280815 (READ-ONLY COPY).

The authoritative reference and input builder live on the scoring server;
editing this copy changes nothing except your own understanding.
"""

import math
import jax, jax.numpy as jnp
import numpy as np

N_IN = 1000000
INIT_MEAN = 0.5
INIT_STD = 0.01
BETA = 2.0 / 3.0
STRETCH = 0.1
LIMIT_L = -STRETCH
LIMIT_R = 1.0 + STRETCH
BIAS = -BETA * math.log(-LIMIT_L / LIMIT_R)


def setup_inputs(seed: int = 0) -> dict:
    key = jax.random.key(seed)
    mean = math.log(1.0 - INIT_MEAN) - math.log(INIT_MEAN)
    log_alpha = mean + INIT_STD * jax.random.normal(key, (N_IN,), dtype=jnp.float32)
    return {"log_alpha": log_alpha}


def reference(log_alpha):
    # HardConcrete eval-mode forward (deterministic 'compiled mask' path):
    # expected L0 norm -> number of entries to zero out -> bottom-k topk mask.
    l0_norm = jnp.sum(jax.nn.sigmoid(log_alpha + BIAS))
    expected_num_zeros = N_IN - l0_norm
    num_zeros = jnp.clip(jnp.round(expected_num_zeros).astype(jnp.int32), 0, N_IN)
    soft_mask = jax.nn.sigmoid(log_alpha / BETA * 0.8)
    # smallest `num_zeros` entries: stable ascending ranks match top_k's
    # lowest-index tie-breaking on the negated values
    order = jnp.argsort(soft_mask, stable=True)
    ranks = jnp.zeros((N_IN,), dtype=jnp.int32).at[order].set(
        jnp.arange(N_IN, dtype=jnp.int32)
    )
    mask = jnp.where(ranks < num_zeros, 0.0, soft_mask)
    return mask

if __name__ == "__main__":
    import jax
    _d = setup_inputs()
    print(jax.jit(kernel)(*tuple(_d.values())))

</pallas_src>

<mosaic_0001>
#map = affine_map<(d0, d1) -> (0)>
#map1 = affine_map<(d0, d1) -> (0, 0)>
module attributes {stable_mosaic.version = 14 : i64} {
  func.func @body(%arg0: i32, %arg1: i32, %arg2: memref<1048576xi32, #tpu.memory_space<hbm>>, %arg3: memref<16xi32, #tpu.memory_space<hbm>>, %arg4: memref<32x16384xi32, #tpu.memory_space<hbm>>, %arg5: memref<32768xi32, #tpu.memory_space<vmem>>, %arg6: memref<16384xi32, #tpu.memory_space<vmem>>, %arg7: memref<16xi32, #tpu.memory_space<vmem>>) attributes {dimension_semantics = [#tpu.dimension_semantics<core_parallel>, #tpu.dimension_semantics<subcore_parallel>], iteration_bounds = array<i64: 2, 16>, scalar_prefetch = 0 : i64, scratch_operands = 3 : i64, tpu.core_type = #tpu.core_type<sc_vector_subcore>, window_params = [{transform_indices = #map}, {transform_indices = #map}, {transform_indices = #map1}]} {
    %mul3A = arith.constant 2 : i32
    %mul3A_0 = arith.muli %arg1, %mul3A : i32
    %add3A = arith.addi %mul3A_0, %arg0 : i32
    %broadcast_in_dim3A = arith.constant 0 : i32
    %broadcast_in_dim3A_1 = vector.broadcast %broadcast_in_dim3A : i32 to vector<16xi32>
    %broadcast_in_dim3A_2 = arith.constant 1 : i32
    %broadcast_in_dim3A_3 = vector.broadcast %broadcast_in_dim3A_2 : i32 to vector<16xi32>
    %iota3A = tpu.iota {dimensions = array<i32: 0>} : vector<16xi32>
    %scan3A = arith.constant 0 : i32
    %scan3A_4 = arith.constant 0 : i32
    %scan3A_5 = arith.constant 128 : i32
    %scan3A_6 = arith.addi %scan3A_4, %scan3A_5 : i32
    %scan3A_7 = arith.constant 1 : i32
    scf.for %scan3A_17 = %scan3A_4 to %scan3A_6 step %scan3A_7  : i32 {
      %mul3A_18 = arith.constant 128 : i32
      %mul3A_19 = arith.muli %scan3A_17, %mul3A_18 : i32
      %add3A_20 = arith.constant 0 : i32
      %add3A_21 = arith.addi %mul3A_19, %add3A_20 : i32
      %swap3A = arith.index_cast %add3A_21 : i32 to index
      %swap3A_22 = tpu.vector_load %arg6[%swap3A] {strides = array<i32>} : memref<16384xi32, #tpu.memory_space<vmem>>, vector<16xi32>,
      tpu.vector_store %arg6[%swap3A], %broadcast_in_dim3A_1 {strides = array<i32>} : memref<16384xi32, #tpu.memory_space<vmem>>, vector<16xi32>,
      %mul3A_23 = arith.constant 128 : i32
      %mul3A_24 = arith.muli %scan3A_17, %mul3A_23 : i32
      %add3A_25 = arith.constant 16 : i32
      %add3A_26 = arith.addi %mul3A_24, %add3A_25 : i32
      %swap3A_27 = arith.index_cast %add3A_26 : i32 to index
      %swap3A_28 = tpu.vector_load %arg6[%swap3A_27] {strides = array<i32>} : memref<16384xi32, #tpu.memory_space<vmem>>, vector<16xi32>,
      tpu.vector_store %arg6[%swap3A_27], %broadcast_in_dim3A_1 {strides = array<i32>} : memref<16384xi32, #tpu.memory_space<vmem>>, vector<16xi32>,
      %mul3A_29 = arith.constant 128 : i32
      %mul3A_30 = arith.muli %scan3A_17, %mul3A_29 : i32
      %add3A_31 = arith.constant 32 : i32
      %add3A_32 = arith.addi %mul3A_30, %add3A_31 : i32
      %swap3A_33 = arith.index_cast %add3A_32 : i32 to index
      %swap3A_34 = tpu.vector_load %arg6[%swap3A_33] {strides = array<i32>} : memref<16384xi32, #tpu.memory_space<vmem>>, vector<16xi32>,
      tpu.vector_store %arg6[%swap3A_33], %broadcast_in_dim3A_1 {strides = array<i32>} : memref<16384xi32, #tpu.memory_space<vmem>>, vector<16xi32>,
      %mul3A_35 = arith.constant 128 : i32
      %mul3A_36 = arith.muli %scan3A_17, %mul3A_35 : i32
      %add3A_37 = arith.constant 48 : i32
      %add3A_38 = arith.addi %mul3A_36, %add3A_37 : i32
      %swap3A_39 = arith.index_cast %add3A_38 : i32 to index
      %swap3A_40 = tpu.vector_load %arg6[%swap3A_39] {strides = array<i32>} : memref<16384xi32, #tpu.memory_space<vmem>>, vector<16xi32>,
      tpu.vector_store %arg6[%swap3A_39], %broadcast_in_dim3A_1 {strides = array<i32>} : memref<16384xi32, #tpu.memory_space<vmem>>, vector<16xi32>,
      %mul3A_41 = arith.constant 128 : i32
      %mul3A_42 = arith.muli %scan3A_17, %mul3A_41 : i32
      %add3A_43 = arith.constant 64 : i32
      %add3A_44 = arith.addi %mul3A_42, %add3A_43 : i32
      %swap3A_45 = arith.index_cast %add3A_44 : i32 to index
      %swap3A_46 = tpu.vector_load %arg6[%swap3A_45] {strides = array<i32>} : memref<16384xi32, #tpu.memory_space<vmem>>, vector<16xi32>,
      tpu.vector_store %arg6[%swap3A_45], %broadcast_in_dim3A_1 {strides = array<i32>} : memref<16384xi32, #tpu.memory_space<vmem>>, vector<16xi32>,
      %mul3A_47 = arith.constant 128 : i32
      %mul3A_48 = arith.muli %scan3A_17, %mul3A_47 : i32
      %add3A_49 = arith.constant 80 : i32
      %add3A_50 = arith.addi %mul3A_48, %add3A_49 : i32
      %swap3A_51 = arith.index_cast %add3A_50 : i32 to index
      %swap3A_52 = tpu.vector_load %arg6[%swap3A_51] {strides = array<i32>} : memref<16384xi32, #tpu.memory_space<vmem>>, vector<16xi32>,
      tpu.vector_store %arg6[%swap3A_51], %broadcast_in_dim3A_1 {strides = array<i32>} : memref<16384xi32, #tpu.memory_space<vmem>>, vector<16xi32>,
      %mul3A_53 = arith.constant 128 : i32
      %mul3A_54 = arith.muli %scan3A_17, %mul3A_53 : i32
      %add3A_55 = arith.constant 96 : i32
      %add3A_56 = arith.addi %mul3A_54, %add3A_55 : i32
      %swap3A_57 = arith.index_cast %add3A_56 : i32 to index
      %swap3A_58 = tpu.vector_load %arg6[%swap3A_57] {strides = array<i32>} : memref<16384xi32, #tpu.memory_space<vmem>>, vector<16xi32>,
      tpu.vector_store %arg6[%swap3A_57], %broadcast_in_dim3A_1 {strides = array<i32>} : memref<16384xi32, #tpu.memory_space<vmem>>, vector<16xi32>,
      %mul3A_59 = arith.constant 128 : i32
      %mul3A_60 = arith.muli %scan3A_17, %mul3A_59 : i32
      %add3A_61 = arith.constant 112 : i32
      %add3A_62 = arith.addi %mul3A_60, %add3A_61 : i32
      %swap3A_63 = arith.index_cast %add3A_62 : i32 to index
      %swap3A_64 = tpu.vector_load %arg6[%swap3A_63] {strides = array<i32>} : memref<16384xi32, #tpu.memory_space<vmem>>, vector<16xi32>,
      tpu.vector_store %arg6[%swap3A_63], %broadcast_in_dim3A_1 {strides = array<i32>} : memref<16384xi32, #tpu.memory_space<vmem>>, vector<16xi32>,
    }
    %scan3A_8 = arith.constant 128 : i32
    %mul3A_9 = arith.constant 32768 : i32
    %mul3A_10 = arith.muli %add3A, %mul3A_9 : i32
    "tpu.region"() ({
      %run_scoped3A = tpu.sem_alloc : memref<!tpu.dma_semaphore, #tpu.memory_space<semaphore_mem>>
      %dma_start3A = tpu.memref_slice %arg2[%mul3A_10] : memref<1048576xi32, #tpu.memory_space<hbm>> -> memref<32768xi32, #tpu.memory_space<hbm>>
      %dma_start3A_17 = tpu.memref_slice %arg2[%mul3A_10] : memref<1048576xi32, #tpu.memory_space<hbm>> -> memref<32768xi32, #tpu.memory_space<hbm>>
      tpu.enqueue_dma source(%dma_start3A_17 : memref<32768xi32, #tpu.memory_space<hbm>>) target(%arg5 : memref<32768xi32, #tpu.memory_space<vmem>>) target_semaphore(%run_scoped3A : memref<!tpu.dma_semaphore, #tpu.memory_space<semaphore_mem>>)
      %dma_wait3A = tpu.memref_slice %arg2[%mul3A_10] : memref<1048576xi32, #tpu.memory_space<hbm>> -> memref<32768xi32, #tpu.memory_space<hbm>>
      %dma_wait3A_18 = tpu.memref_slice %arg2[%mul3A_10] : memref<1048576xi32, #tpu.memory_space<hbm>> -> memref<32768xi32, #tpu.memory_space<hbm>>
      tpu.wait_dma2 semaphore(%run_scoped3A : memref<!tpu.dma_semaphore, #tpu.memory_space<semaphore_mem>>) src(%dma_wait3A_18 : memref<32768xi32, #tpu.memory_space<hbm>>) dst(%arg5 : memref<32768xi32, #tpu.memory_space<vmem>>)
      tpu.yield
    }) : () -> ()
    %scan3A_11 = arith.constant 0 : i32
    %scan3A_12 = arith.constant 0 : i32
    %scan3A_13 = arith.constant 512 : i32
    %scan3A_14 = arith.addi %scan3A_12, %scan3A_13 : i32
    %scan3A_15 = arith.constant 1 : i32
    scf.for %scan3A_17 = %scan3A_12 to %scan3A_14 step %scan3A_15  : i32 {
      %mul3A_18 = arith.constant 64 : i32
      %mul3A_19 = arith.muli %scan3A_17, %mul3A_18 : i32
      %add3A_20 = arith.constant 0 : i32
      %add3A_21 = arith.addi %mul3A_19, %add3A_20 : i32
      %get3A = arith.index_cast %add3A_21 : i32 to index
      %get3A_22 = tpu.vector_load %arg5[%get3A] {strides = array<i32>} : memref<32768xi32, #tpu.memory_space<vmem>>, vector<16xi32>,
      %shift_right_arithmetic3A = arith.constant 20 : i32
      %shift_right_arithmetic3A_23 = vector.broadcast %shift_right_arithmetic3A : i32 to vector<16xi32>
      %shift_right_arithmetic3A_24 = arith.shrsi %get3A_22, %shift_right_arithmetic3A_23 : vector<16xi32>
      %and3A = arith.constant 1023 : i32
      %and3A_25 = vector.broadcast %and3A : i32 to vector<16xi32>
      %and3A_26 = arith.andi %shift_right_arithmetic3A_24, %and3A_25 : vector<16xi32>
      %mul3A_27 = arith.constant 16 : i32
      %mul3A_28 = vector.broadcast %mul3A_27 : i32 to vector<16xi32>
      %mul3A_29 = arith.muli %and3A_26, %mul3A_28 : vector<16xi32>
      %add3A_30 = arith.addi %mul3A_29, %iota3A : vector<16xi32>
      tpu.vector_store_idx %arg6[%add3A_30], %broadcast_in_dim3A_3 {add = true} : memref<16384xi32, #tpu.memory_space<vmem>>[vector<16xi32>], vector<16xi32>,
      %mul3A_31 = arith.constant 64 : i32
      %mul3A_32 = arith.muli %scan3A_17, %mul3A_31 : i32
      %add3A_33 = arith.constant 16 : i32
      %add3A_34 = arith.addi %mul3A_32, %add3A_33 : i32
      %get3A_35 = arith.index_cast %add3A_34 : i32 to index
      %get3A_36 = tpu.vector_load %arg5[%get3A_35] {strides = array<i32>} : memref<32768xi32, #tpu.memory_space<vmem>>, vector<16xi32>,
      %shift_right_arithmetic3A_37 = arith.constant 20 : i32
      %shift_right_arithmetic3A_38 = vector.broadcast %shift_right_arithmetic3A_37 : i32 to vector<16xi32>
      %shift_right_arithmetic3A_39 = arith.shrsi %get3A_36, %shift_right_arithmetic3A_38 : vector<16xi32>
      %and3A_40 = arith.constant 1023 : i32
      %and3A_41 = vector.broadcast %and3A_40 : i32 to vector<16xi32>
      %and3A_42 = arith.andi %shift_right_arithmetic3A_39, %and3A_41 : vector<16xi32>
      %mul3A_43 = arith.constant 16 : i32
      %mul3A_44 = vector.broadcast %mul3A_43 : i32 to vector<16xi32>
      %mul3A_45 = arith.muli %and3A_42, %mul3A_44 : vector<16xi32>
      %add3A_46 = arith.addi %mul3A_45, %iota3A : vector<16xi32>
      tpu.vector_store_idx %arg6[%add3A_46], %broadcast_in_dim3A_3 {add = true} : memref<16384xi32, #tpu.memory_space<vmem>>[vector<16xi32>], vector<16xi32>,
      %mul3A_47 = arith.constant 64 : i32
      %mul3A_48 = arith.muli %scan3A_17, %mul3A_47 : i32
      %add3A_49 = arith.constant 32 : i32
      %add3A_50 = arith.addi %mul3A_48, %add3A_49 : i32
      %get3A_51 = arith.index_cast %add3A_50 : i32 to index
      %get3A_52 = tpu.vector_load %arg5[%get3A_51] {strides = array<i32>} : memref<32768xi32, #tpu.memory_space<vmem>>, vector<16xi32>,
      %shift_right_arithmetic3A_53 = arith.constant 20 : i32
      %shift_right_arithmetic3A_54 = vector.broadcast %shift_right_arithmetic3A_53 : i32 to vector<16xi32>
      %shift_right_arithmetic3A_55 = arith.shrsi %get3A_52, %shift_right_arithmetic3A_54 : vector<16xi32>
      %and3A_56 = arith.constant 1023 : i32
      %and3A_57 = vector.broadcast %and3A_56 : i32 to vector<16xi32>
      %and3A_58 = arith.andi %shift_right_arithmetic3A_55, %and3A_57 : vector<16xi32>
      %mul3A_59 = arith.constant 16 : i32
      %mul3A_60 = vector.broadcast %mul3A_59 : i32 to vector<16xi32>
      %mul3A_61 = arith.muli %and3A_58, %mul3A_60 : vector<16xi32>
      %add3A_62 = arith.addi %mul3A_61, %iota3A : vector<16xi32>
      tpu.vector_store_idx %arg6[%add3A_62], %broadcast_in_dim3A_3 {add = true} : memref<16384xi32, #tpu.memory_space<vmem>>[vector<16xi32>], vector<16xi32>,
      %mul3A_63 = arith.constant 64 : i32
      %mul3A_64 = arith.muli %scan3A_17, %mul3A_63 : i32
      %add3A_65 = arith.constant 48 : i32
      %add3A_66 = arith.addi %mul3A_64, %add3A_65 : i32
      %get3A_67 = arith.index_cast %add3A_66 : i32 to index
      %get3A_68 = tpu.vector_load %arg5[%get3A_67] {strides = array<i32>} : memref<32768xi32, #tpu.memory_space<vmem>>, vector<16xi32>,
      %shift_right_arithmetic3A_69 = arith.constant 20 : i32
      %shift_right_arithmetic3A_70 = vector.broadcast %shift_right_arithmetic3A_69 : i32 to vector<16xi32>
      %shift_right_arithmetic3A_71 = arith.shrsi %get3A_68, %shift_right_arithmetic3A_70 : vector<16xi32>
      %and3A_72 = arith.constant 1023 : i32
      %and3A_73 = vector.broadcast %and3A_72 : i32 to vector<16xi32>
      %and3A_74 = arith.andi %shift_right_arithmetic3A_71, %and3A_73 : vector<16xi32>
      %mul3A_75 = arith.constant 16 : i32
      %mul3A_76 = vector.broadcast %mul3A_75 : i32 to vector<16xi32>
      %mul3A_77 = arith.muli %and3A_74, %mul3A_76 : vector<16xi32>
      %add3A_78 = arith.addi %mul3A_77, %iota3A : vector<16xi32>
      tpu.vector_store_idx %arg6[%add3A_78], %broadcast_in_dim3A_3 {add = true} : memref<16384xi32, #tpu.memory_space<vmem>>[vector<16xi32>], vector<16xi32>,
    }
    %scan3A_16 = arith.constant 512 : i32
    "tpu.region"() ({
      %run_scoped3A = tpu.sem_alloc : memref<!tpu.dma_semaphore, #tpu.memory_space<semaphore_mem>>
      %dma_start3A = arith.constant 0 : i32
      %dma_start3A_17 = tpu.memref_slice %arg4[%add3A, %dma_start3A] : memref<32x16384xi32, #tpu.memory_space<hbm>> -> memref<1x16384xi32, #tpu.memory_space<hbm>>
      %dma_start3A_18 = tpu.memref_squeeze %dma_start3A_17 : memref<1x16384xi32, #tpu.memory_space<hbm>> -> memref<16384xi32, #tpu.memory_space<hbm>>
      %dma_start3A_19 = arith.constant 0 : i32
      %dma_start3A_20 = tpu.memref_slice %arg4[%add3A, %dma_start3A_19] : memref<32x16384xi32, #tpu.memory_space<hbm>> -> memref<1x16384xi32, #tpu.memory_space<hbm>>
      %dma_start3A_21 = tpu.memref_squeeze %dma_start3A_20 : memref<1x16384xi32, #tpu.memory_space<hbm>> -> memref<16384xi32, #tpu.memory_space<hbm>>
      tpu.enqueue_dma source(%arg6 : memref<16384xi32, #tpu.memory_space<vmem>>) target(%dma_start3A_21 : memref<16384xi32, #tpu.memory_space<hbm>>) target_semaphore(%run_scoped3A : memref<!tpu.dma_semaphore, #tpu.memory_space<semaphore_mem>>)
      %dma_wait3A = arith.constant 0 : i32
      %dma_wait3A_22 = tpu.memref_slice %arg4[%add3A, %dma_wait3A] : memref<32x16384xi32, #tpu.memory_space<hbm>> -> memref<1x16384xi32, #tpu.memory_space<hbm>>
      %dma_wait3A_23 = tpu.memref_squeeze %dma_wait3A_22 : memref<1x16384xi32, #tpu.memory_space<hbm>> -> memref<16384xi32, #tpu.memory_space<hbm>>
      %dma_wait3A_24 = arith.constant 0 : i32
      %dma_wait3A_25 = tpu.memref_slice %arg4[%add3A, %dma_wait3A_24] : memref<32x16384xi32, #tpu.memory_space<hbm>> -> memref<1x16384xi32, #tpu.memory_space<hbm>>
      %dma_wait3A_26 = tpu.memref_squeeze %dma_wait3A_25 : memref<1x16384xi32, #tpu.memory_space<hbm>> -> memref<16384xi32, #tpu.memory_space<hbm>>
      tpu.wait_dma2 semaphore(%run_scoped3A : memref<!tpu.dma_semaphore, #tpu.memory_space<semaphore_mem>>) src(%arg6 : memref<16384xi32, #tpu.memory_space<vmem>>) dst(%dma_wait3A_26 : memref<16384xi32, #tpu.memory_space<hbm>>)
      tpu.yield
    }) : () -> ()
    return
  }
}

#map = affine_map<(d0, d1) -> (0)>
#map1 = affine_map<(d0, d1) -> (0, 0)>
module attributes {stable_mosaic.version = 14 : i64} {
  func.func @body(%arg0: i32, %arg1: i32, %arg2: memref<1048576xi32, #tpu.memory_space<hbm>>, %arg3: memref<16xi32, #tpu.memory_space<hbm>>, %arg4: memref<32x16384xi32, #tpu.memory_space<hbm>>, %arg5: memref<32768xi32, #tpu.memory_space<vmem>>, %arg6: memref<16384xi32, #tpu.memory_space<vmem>>, %arg7: memref<16xi32, #tpu.memory_space<vmem>>) attributes {dimension_semantics = [#tpu.dimension_semantics<core_parallel>, #tpu.dimension_semantics<subcore_parallel>], iteration_bounds = array<i64: 2, 16>, scalar_prefetch = 0 : i64, scratch_operands = 3 : i64, tpu.core_type = #tpu.core_type<sc_vector_subcore>, window_params = [{transform_indices = #map}, {transform_indices = #map}, {transform_indices = #map1}]} {
    %mul3A = arith.constant 2 : i32
    %mul3A_0 = arith.muli %arg1, %mul3A : i32
    %add3A = arith.addi %mul3A_0, %arg0 : i32
    %broadcast_in_dim3A = arith.constant 0 : i32
    %broadcast_in_dim3A_1 = vector.broadcast %broadcast_in_dim3A : i32 to vector<16xi32>
    %broadcast_in_dim3A_2 = arith.constant 1 : i32
    %broadcast_in_dim3A_3 = vector.broadcast %broadcast_in_dim3A_2 : i32 to vector<16xi32>
    %iota3A = tpu.iota {dimensions = array<i32: 0>} : vector<16xi32>
    %scan3A = arith.constant 0 : i32
    %scan3A_4 = arith.constant 0 : i32
    %scan3A_5 = arith.constant 128 : i32
    %scan3A_6 = arith.addi %scan3A_4, %scan3A_5 : i32
    %scan3A_7 = arith.constant 1 : i32
    scf.for %scan3A_18 = %scan3A_4 to %scan3A_6 step %scan3A_7  : i32 {
      %mul3A_19 = arith.constant 128 : i32
      %mul3A_20 = arith.muli %scan3A_18, %mul3A_19 : i32
      %add3A_21 = arith.constant 0 : i32
      %add3A_22 = arith.addi %mul3A_20, %add3A_21 : i32
      %swap3A = arith.index_cast %add3A_22 : i32 to index
      %swap3A_23 = tpu.vector_load %arg6[%swap3A] {strides = array<i32>} : memref<16384xi32, #tpu.memory_space<vmem>>, vector<16xi32>,
      tpu.vector_store %arg6[%swap3A], %broadcast_in_dim3A_1 {strides = array<i32>} : memref<16384xi32, #tpu.memory_space<vmem>>, vector<16xi32>,
      %mul3A_24 = arith.constant 128 : i32
      %mul3A_25 = arith.muli %scan3A_18, %mul3A_24 : i32
      %add3A_26 = arith.constant 16 : i32
      %add3A_27 = arith.addi %mul3A_25, %add3A_26 : i32
      %swap3A_28 = arith.index_cast %add3A_27 : i32 to index
      %swap3A_29 = tpu.vector_load %arg6[%swap3A_28] {strides = array<i32>} : memref<16384xi32, #tpu.memory_space<vmem>>, vector<16xi32>,
      tpu.vector_store %arg6[%swap3A_28], %broadcast_in_dim3A_1 {strides = array<i32>} : memref<16384xi32, #tpu.memory_space<vmem>>, vector<16xi32>,
      %mul3A_30 = arith.constant 128 : i32
      %mul3A_31 = arith.muli %scan3A_18, %mul3A_30 : i32
      %add3A_32 = arith.constant 32 : i32
      %add3A_33 = arith.addi %mul3A_31, %add3A_32 : i32
      %swap3A_34 = arith.index_cast %add3A_33 : i32 to index
      %swap3A_35 = tpu.vector_load %arg6[%swap3A_34] {strides = array<i32>} : memref<16384xi32, #tpu.memory_space<vmem>>, vector<16xi32>,
      tpu.vector_store %arg6[%swap3A_34], %broadcast_in_dim3A_1 {strides = array<i32>} : memref<16384xi32, #tpu.memory_space<vmem>>, vector<16xi32>,
      %mul3A_36 = arith.constant 128 : i32
      %mul3A_37 = arith.muli %scan3A_18, %mul3A_36 : i32
      %add3A_38 = arith.constant 48 : i32
      %add3A_39 = arith.addi %mul3A_37, %add3A_38 : i32
      %swap3A_40 = arith.index_cast %add3A_39 : i32 to index
      %swap3A_41 = tpu.vector_load %arg6[%swap3A_40] {strides = array<i32>} : memref<16384xi32, #tpu.memory_space<vmem>>, vector<16xi32>,
      tpu.vector_store %arg6[%swap3A_40], %broadcast_in_dim3A_1 {strides = array<i32>} : memref<16384xi32, #tpu.memory_space<vmem>>, vector<16xi32>,
      %mul3A_42 = arith.constant 128 : i32
      %mul3A_43 = arith.muli %scan3A_18, %mul3A_42 : i32
      %add3A_44 = arith.constant 64 : i32
      %add3A_45 = arith.addi %mul3A_43, %add3A_44 : i32
      %swap3A_46 = arith.index_cast %add3A_45 : i32 to index
      %swap3A_47 = tpu.vector_load %arg6[%swap3A_46] {strides = array<i32>} : memref<16384xi32, #tpu.memory_space<vmem>>, vector<16xi32>,
      tpu.vector_store %arg6[%swap3A_46], %broadcast_in_dim3A_1 {strides = array<i32>} : memref<16384xi32, #tpu.memory_space<vmem>>, vector<16xi32>,
      %mul3A_48 = arith.constant 128 : i32
      %mul3A_49 = arith.muli %scan3A_18, %mul3A_48 : i32
      %add3A_50 = arith.constant 80 : i32
      %add3A_51 = arith.addi %mul3A_49, %add3A_50 : i32
      %swap3A_52 = arith.index_cast %add3A_51 : i32 to index
      %swap3A_53 = tpu.vector_load %arg6[%swap3A_52] {strides = array<i32>} : memref<16384xi32, #tpu.memory_space<vmem>>, vector<16xi32>,
      tpu.vector_store %arg6[%swap3A_52], %broadcast_in_dim3A_1 {strides = array<i32>} : memref<16384xi32, #tpu.memory_space<vmem>>, vector<16xi32>,
      %mul3A_54 = arith.constant 128 : i32
      %mul3A_55 = arith.muli %scan3A_18, %mul3A_54 : i32
      %add3A_56 = arith.constant 96 : i32
      %add3A_57 = arith.addi %mul3A_55, %add3A_56 : i32
      %swap3A_58 = arith.index_cast %add3A_57 : i32 to index
      %swap3A_59 = tpu.vector_load %arg6[%swap3A_58] {strides = array<i32>} : memref<16384xi32, #tpu.memory_space<vmem>>, vector<16xi32>,
      tpu.vector_store %arg6[%swap3A_58], %broadcast_in_dim3A_1 {strides = array<i32>} : memref<16384xi32, #tpu.memory_space<vmem>>, vector<16xi32>,
      %mul3A_60 = arith.constant 128 : i32
      %mul3A_61 = arith.muli %scan3A_18, %mul3A_60 : i32
      %add3A_62 = arith.constant 112 : i32
      %add3A_63 = arith.addi %mul3A_61, %add3A_62 : i32
      %swap3A_64 = arith.index_cast %add3A_63 : i32 to index
      %swap3A_65 = tpu.vector_load %arg6[%swap3A_64] {strides = array<i32>} : memref<16384xi32, #tpu.memory_space<vmem>>, vector<16xi32>,
      tpu.vector_store %arg6[%swap3A_64], %broadcast_in_dim3A_1 {strides = array<i32>} : memref<16384xi32, #tpu.memory_space<vmem>>, vector<16xi32>,
    }
    %scan3A_8 = arith.constant 128 : i32
    "tpu.region"() ({
      %run_scoped3A = tpu.sem_alloc : memref<!tpu.dma_semaphore, #tpu.memory_space<semaphore_mem>>
      tpu.enqueue_dma source(%arg3 : memref<16xi32, #tpu.memory_space<hbm>>) target(%arg7 : memref<16xi32, #tpu.memory_space<vmem>>) target_semaphore(%run_scoped3A : memref<!tpu.dma_semaphore, #tpu.memory_space<semaphore_mem>>)
      tpu.wait_dma2 semaphore(%run_scoped3A : memref<!tpu.dma_semaphore, #tpu.memory_space<semaphore_mem>>) src(%arg3 : memref<16xi32, #tpu.memory_space<hbm>>) dst(%arg7 : memref<16xi32, #tpu.memory_space<vmem>>)
      tpu.yield
    }) : () -> ()
    %get3A = arith.constant 0 : index
    %get3A_9 = tpu.vector_load %arg7[%get3A] {strides = array<i32>} : memref<16xi32, #tpu.memory_space<vmem>>, vector<16xi32>,
    %mul3A_10 = arith.constant 32768 : i32
    %mul3A_11 = arith.muli %add3A, %mul3A_10 : i32
    "tpu.region"() ({
      %run_scoped3A = tpu.sem_alloc : memref<!tpu.dma_semaphore, #tpu.memory_space<semaphore_mem>>
      %dma_start3A = tpu.memref_slice %arg2[%mul3A_11] : memref<1048576xi32, #tpu.memory_space<hbm>> -> memref<32768xi32, #tpu.memory_space<hbm>>
      %dma_start3A_18 = tpu.memref_slice %arg2[%mul3A_11] : memref<1048576xi32, #tpu.memory_space<hbm>> -> memref<32768xi32, #tpu.memory_space<hbm>>
      tpu.enqueue_dma source(%dma_start3A_18 : memref<32768xi32, #tpu.memory_space<hbm>>) target(%arg5 : memref<32768xi32, #tpu.memory_space<vmem>>) target_semaphore(%run_scoped3A : memref<!tpu.dma_semaphore, #tpu.memory_space<semaphore_mem>>)
      %dma_wait3A = tpu.memref_slice %arg2[%mul3A_11] : memref<1048576xi32, #tpu.memory_space<hbm>> -> memref<32768xi32, #tpu.memory_space<hbm>>
      %dma_wait3A_19 = tpu.memref_slice %arg2[%mul3A_11] : memref<1048576xi32, #tpu.memory_space<hbm>> -> memref<32768xi32, #tpu.memory_space<hbm>>
      tpu.wait_dma2 semaphore(%run_scoped3A : memref<!tpu.dma_semaphore, #tpu.memory_space<semaphore_mem>>) src(%dma_wait3A_19 : memref<32768xi32, #tpu.memory_space<hbm>>) dst(%arg5 : memref<32768xi32, #tpu.memory_space<vmem>>)
      tpu.yield
    }) : () -> ()
    %scan3A_12 = arith.constant 0 : i32
    %scan3A_13 = arith.constant 0 : i32
    %scan3A_14 = arith.constant 512 : i32
    %scan3A_15 = arith.addi %scan3A_13, %scan3A_14 : i32
    %scan3A_16 = arith.constant 1 : i32
    scf.for %scan3A_18 = %scan3A_13 to %scan3A_15 step %scan3A_16  : i32 {
      %mul3A_19 = arith.constant 64 : i32
      %mul3A_20 = arith.muli %scan3A_18, %mul3A_19 : i32
      %add3A_21 = arith.constant 0 : i32
      %add3A_22 = arith.addi %mul3A_20, %add3A_21 : i32
      %get3A_23 = arith.index_cast %add3A_22 : i32 to index
      %get3A_24 = tpu.vector_load %arg5[%get3A_23] {strides = array<i32>} : memref<32768xi32, #tpu.memory_space<vmem>>, vector<16xi32>,
      %shift_right_arithmetic3A = arith.constant 0 : i32
      %shift_right_arithmetic3A_25 = vector.broadcast %shift_right_arithmetic3A : i32 to vector<16xi32>
      %shift_right_arithmetic3A_26 = arith.shrsi %get3A_24, %shift_right_arithmetic3A_25 : vector<16xi32>
      %and3A = arith.constant 1023 : i32
      %and3A_27 = vector.broadcast %and3A : i32 to vector<16xi32>
      %and3A_28 = arith.andi %shift_right_arithmetic3A_26, %and3A_27 : vector<16xi32>
      %mul3A_29 = arith.constant 16 : i32
      %mul3A_30 = vector.broadcast %mul3A_29 : i32 to vector<16xi32>
      %mul3A_31 = arith.muli %and3A_28, %mul3A_30 : vector<16xi32>
      %add3A_32 = arith.addi %mul3A_31, %iota3A : vector<16xi32>
      %shift_right_arithmetic3A_33 = arith.constant 10 : i32
      %shift_right_arithmetic3A_34 = vector.broadcast %shift_right_arithmetic3A_33 : i32 to vector<16xi32>
      %shift_right_arithmetic3A_35 = arith.shrsi %get3A_24, %shift_right_arithmetic3A_34 : vector<16xi32>
      %eq3A = arith.cmpi eq, %shift_right_arithmetic3A_35, %get3A_9 : vector<16xi32>
      tpu.vector_store_idx %arg6[%add3A_32], %broadcast_in_dim3A_3 masked %eq3A {add = true} : memref<16384xi32, #tpu.memory_space<vmem>>[vector<16xi32>], vector<16xi32>, vector<16xi1>
      %mul3A_36 = arith.constant 64 : i32
      %mul3A_37 = arith.muli %scan3A_18, %mul3A_36 : i32
      %add3A_38 = arith.constant 16 : i32
      %add3A_39 = arith.addi %mul3A_37, %add3A_38 : i32
      %get3A_40 = arith.index_cast %add3A_39 : i32 to index
      %get3A_41 = tpu.vector_load %arg5[%get3A_40] {strides = array<i32>} : memref<32768xi32, #tpu.memory_space<vmem>>, vector<16xi32>,
      %shift_right_arithmetic3A_42 = arith.constant 0 : i32
      %shift_right_arithmetic3A_43 = vector.broadcast %shift_right_arithmetic3A_42 : i32 to vector<16xi32>
      %shift_right_arithmetic3A_44 = arith.shrsi %get3A_41, %shift_right_arithmetic3A_43 : vector<16xi32>
      %and3A_45 = arith.constant 1023 : i32
      %and3A_46 = vector.broadcast %and3A_45 : i32 to vector<16xi32>
      %and3A_47 = arith.andi %shift_right_arithmetic3A_44, %and3A_46 : vector<16xi32>
      %mul3A_48 = arith.constant 16 : i32
      %mul3A_49 = vector.broadcast %mul3A_48 : i32 to vector<16xi32>
      %mul3A_50 = arith.muli %and3A_47, %mul3A_49 : vector<16xi32>
      %add3A_51 = arith.addi %mul3A_50, %iota3A : vector<16xi32>
      %shift_right_arithmetic3A_52 = arith.constant 10 : i32
      %shift_right_arithmetic3A_53 = vector.broadcast %shift_right_arithmetic3A_52 : i32 to vector<16xi32>
      %shift_right_arithmetic3A_54 = arith.shrsi %get3A_41, %shift_right_arithmetic3A_53 : vector<16xi32>
      %eq3A_55 = arith.cmpi eq, %shift_right_arithmetic3A_54, %get3A_9 : vector<16xi32>
      tpu.vector_store_idx %arg6[%add3A_51], %broadcast_in_dim3A_3 masked %eq3A_55 {add = true} : memref<16384xi32, #tpu.memory_space<vmem>>[vector<16xi32>], vector<16xi32>, vector<16xi1>
      %mul3A_56 = arith.constant 64 : i32
      %mul3A_57 = arith.muli %scan3A_18, %mul3A_56 : i32
      %add3A_58 = arith.constant 32 : i32
      %add3A_59 = arith.addi %mul3A_57, %add3A_58 : i32
      %get3A_60 = arith.index_cast %add3A_59 : i32 to index
      %get3A_61 = tpu.vector_load %arg5[%get3A_60] {strides = array<i32>} : memref<32768xi32, #tpu.memory_space<vmem>>, vector<16xi32>,
      %shift_right_arithmetic3A_62 = arith.constant 0 : i32
      %shift_right_arithmetic3A_63 = vector.broadcast %shift_right_arithmetic3A_62 : i32 to vector<16xi32>
      %shift_right_arithmetic3A_64 = arith.shrsi %get3A_61, %shift_right_arithmetic3A_63 : vector<16xi32>
      %and3A_65 = arith.constant 1023 : i32
      %and3A_66 = vector.broadcast %and3A_65 : i32 to vector<16xi32>
      %and3A_67 = arith.andi %shift_right_arithmetic3A_64, %and3A_66 : vector<16xi32>
      %mul3A_68 = arith.constant 16 : i32
      %mul3A_69 = vector.broadcast %mul3A_68 : i32 to vector<16xi32>
      %mul3A_70 = arith.muli %and3A_67, %mul3A_69 : vector<16xi32>
      %add3A_71 = arith.addi %mul3A_70, %iota3A : vector<16xi32>
      %shift_right_arithmetic3A_72 = arith.constant 10 : i32
      %shift_right_arithmetic3A_73 = vector.broadcast %shift_right_arithmetic3A_72 : i32 to vector<16xi32>
      %shift_right_arithmetic3A_74 = arith.shrsi %get3A_61, %shift_right_arithmetic3A_73 : vector<16xi32>
      %eq3A_75 = arith.cmpi eq, %shift_right_arithmetic3A_74, %get3A_9 : vector<16xi32>
      tpu.vector_store_idx %arg6[%add3A_71], %broadcast_in_dim3A_3 masked %eq3A_75 {add = true} : memref<16384xi32, #tpu.memory_space<vmem>>[vector<16xi32>], vector<16xi32>, vector<16xi1>
      %mul3A_76 = arith.constant 64 : i32
      %mul3A_77 = arith.muli %scan3A_18, %mul3A_76 : i32
      %add3A_78 = arith.constant 48 : i32
      %add3A_79 = arith.addi %mul3A_77, %add3A_78 : i32
      %get3A_80 = arith.index_cast %add3A_79 : i32 to index
      %get3A_81 = tpu.vector_load %arg5[%get3A_80] {strides = array<i32>} : memref<32768xi32, #tpu.memory_space<vmem>>, vector<16xi32>,
      %shift_right_arithmetic3A_82 = arith.constant 0 : i32
      %shift_right_arithmetic3A_83 = vector.broadcast %shift_right_arithmetic3A_82 : i32 to vector<16xi32>
      %shift_right_arithmetic3A_84 = arith.shrsi %get3A_81, %shift_right_arithmetic3A_83 : vector<16xi32>
      %and3A_85 = arith.constant 1023 : i32
      %and3A_86 = vector.broadcast %and3A_85 : i32 to vector<16xi32>
      %and3A_87 = arith.andi %shift_right_arithmetic3A_84, %and3A_86 : vector<16xi32>
      %mul3A_88 = arith.constant 16 : i32
      %mul3A_89 = vector.broadcast %mul3A_88 : i32 to vector<16xi32>
      %mul3A_90 = arith.muli %and3A_87, %mul3A_89 : vector<16xi32>
      %add3A_91 = arith.addi %mul3A_90, %iota3A : vector<16xi32>
      %shift_right_arithmetic3A_92 = arith.constant 10 : i32
      %shift_right_arithmetic3A_93 = vector.broadcast %shift_right_arithmetic3A_92 : i32 to vector<16xi32>
      %shift_right_arithmetic3A_94 = arith.shrsi %get3A_81, %shift_right_arithmetic3A_93 : vector<16xi32>
      %eq3A_95 = arith.cmpi eq, %shift_right_arithmetic3A_94, %get3A_9 : vector<16xi32>
      tpu.vector_store_idx %arg6[%add3A_91], %broadcast_in_dim3A_3 masked %eq3A_95 {add = true} : memref<16384xi32, #tpu.memory_space<vmem>>[vector<16xi32>], vector<16xi32>, vector<16xi1>
    }
    %scan3A_17 = arith.constant 512 : i32
    "tpu.region"() ({
      %run_scoped3A = tpu.sem_alloc : memref<!tpu.dma_semaphore, #tpu.memory_space<semaphore_mem>>
      %dma_start3A = arith.constant 0 : i32
      %dma_start3A_18 = tpu.memref_slice %arg4[%add3A, %dma_start3A] : memref<32x16384xi32, #tpu.memory_space<hbm>> -> memref<1x16384xi32, #tpu.memory_space<hbm>>
      %dma_start3A_19 = tpu.memref_squeeze %dma_start3A_18 : memref<1x16384xi32, #tpu.memory_space<hbm>> -> memref<16384xi32, #tpu.memory_space<hbm>>
      %dma_start3A_20 = arith.constant 0 : i32
      %dma_start3A_21 = tpu.memref_slice %arg4[%add3A, %dma_start3A_20] : memref<32x16384xi32, #tpu.memory_space<hbm>> -> memref<1x16384xi32, #tpu.memory_space<hbm>>
      %dma_start3A_22 = tpu.memref_squeeze %dma_start3A_21 : memref<1x16384xi32, #tpu.memory_space<hbm>> -> memref<16384xi32, #tpu.memory_space<hbm>>
      tpu.enqueue_dma source(%arg6 : memref<16384xi32, #tpu.memory_space<vmem>>) target(%dma_start3A_22 : memref<16384xi32, #tpu.memory_space<hbm>>) target_semaphore(%run_scoped3A : memref<!tpu.dma_semaphore, #tpu.memory_space<semaphore_mem>>)
      %dma_wait3A = arith.constant 0 : i32
      %dma_wait3A_23 = tpu.memref_slice %arg4[%add3A, %dma_wait3A] : memref<32x16384xi32, #tpu.memory_space<hbm>> -> memref<1x16384xi32, #tpu.memory_space<hbm>>
      %dma_wait3A_24 = tpu.memref_squeeze %dma_wait3A_23 : memref<1x16384xi32, #tpu.memory_space<hbm>> -> memref<16384xi32, #tpu.memory_space<hbm>>
      %dma_wait3A_25 = arith.constant 0 : i32
      %dma_wait3A_26 = tpu.memref_slice %arg4[%add3A, %dma_wait3A_25] : memref<32x16384xi32, #tpu.memory_space<hbm>> -> memref<1x16384xi32, #tpu.memory_space<hbm>>
      %dma_wait3A_27 = tpu.memref_squeeze %dma_wait3A_26 : memref<1x16384xi32, #tpu.memory_space<hbm>> -> memref<16384xi32, #tpu.memory_space<hbm>>
      tpu.wait_dma2 semaphore(%run_scoped3A : memref<!tpu.dma_semaphore, #tpu.memory_space<semaphore_mem>>) src(%arg6 : memref<16384xi32, #tpu.memory_space<vmem>>) dst(%dma_wait3A_27 : memref<16384xi32, #tpu.memory_space<hbm>>)
      tpu.yield
    }) : () -> ()
    return
  }
}

#map = affine_map<(d0, d1) -> (0)>
#map1 = affine_map<(d0, d1) -> (0, 0)>
module attributes {stable_mosaic.version = 14 : i64} {
  func.func @body(%arg0: i32, %arg1: i32, %arg2: memref<1048576xi32, #tpu.memory_space<hbm>>, %arg3: memref<16xi32, #tpu.memory_space<hbm>>, %arg4: memref<32x16384xi32, #tpu.memory_space<hbm>>, %arg5: memref<32768xi32, #tpu.memory_space<vmem>>, %arg6: memref<16384xi32, #tpu.memory_space<vmem>>, %arg7: memref<16xi32, #tpu.memory_space<vmem>>) attributes {dimension_semantics = [#tpu.dimension_semantics<core_parallel>, #tpu.dimension_semantics<subcore_parallel>], iteration_bounds = array<i64: 2, 16>, scalar_prefetch = 0 : i64, scratch_operands = 3 : i64, tpu.core_type = #tpu.core_type<sc_vector_subcore>, window_params = [{transform_indices = #map}, {transform_indices = #map}, {transform_indices = #map1}]} {
    %mul3A = arith.constant 2 : i32
    %mul3A_0 = arith.muli %arg1, %mul3A : i32
    %add3A = arith.addi %mul3A_0, %arg0 : i32
    %broadcast_in_dim3A = arith.constant 0 : i32
    %broadcast_in_dim3A_1 = vector.broadcast %broadcast_in_dim3A : i32 to vector<16xi32>
    %broadcast_in_dim3A_2 = arith.constant 1 : i32
    %broadcast_in_dim3A_3 = vector.broadcast %broadcast_in_dim3A_2 : i32 to vector<16xi32>
    %iota3A = tpu.iota {dimensions = array<i32: 0>} : vector<16xi32>
    %scan3A = arith.constant 0 : i32
    %scan3A_4 = arith.constant 0 : i32
    %scan3A_5 = arith.constant 128 : i32
    %scan3A_6 = arith.addi %scan3A_4, %scan3A_5 : i32
    %scan3A_7 = arith.constant 1 : i32
    scf.for %scan3A_18 = %scan3A_4 to %scan3A_6 step %scan3A_7  : i32 {
      %mul3A_19 = arith.constant 128 : i32
      %mul3A_20 = arith.muli %scan3A_18, %mul3A_19 : i32
      %add3A_21 = arith.constant 0 : i32
      %add3A_22 = arith.addi %mul3A_20, %add3A_21 : i32
      %swap3A = arith.index_cast %add3A_22 : i32 to index
      %swap3A_23 = tpu.vector_load %arg6[%swap3A] {strides = array<i32>} : memref<16384xi32, #tpu.memory_space<vmem>>, vector<16xi32>,
      tpu.vector_store %arg6[%swap3A], %broadcast_in_dim3A_1 {strides = array<i32>} : memref<16384xi32, #tpu.memory_space<vmem>>, vector<16xi32>,
      %mul3A_24 = arith.constant 128 : i32
      %mul3A_25 = arith.muli %scan3A_18, %mul3A_24 : i32
      %add3A_26 = arith.constant 16 : i32
      %add3A_27 = arith.addi %mul3A_25, %add3A_26 : i32
      %swap3A_28 = arith.index_cast %add3A_27 : i32 to index
      %swap3A_29 = tpu.vector_load %arg6[%swap3A_28] {strides = array<i32>} : memref<16384xi32, #tpu.memory_space<vmem>>, vector<16xi32>,
      tpu.vector_store %arg6[%swap3A_28], %broadcast_in_dim3A_1 {strides = array<i32>} : memref<16384xi32, #tpu.memory_space<vmem>>, vector<16xi32>,
      %mul3A_30 = arith.constant 128 : i32
      %mul3A_31 = arith.muli %scan3A_18, %mul3A_30 : i32
      %add3A_32 = arith.constant 32 : i32
      %add3A_33 = arith.addi %mul3A_31, %add3A_32 : i32
      %swap3A_34 = arith.index_cast %add3A_33 : i32 to index
      %swap3A_35 = tpu.vector_load %arg6[%swap3A_34] {strides = array<i32>} : memref<16384xi32, #tpu.memory_space<vmem>>, vector<16xi32>,
      tpu.vector_store %arg6[%swap3A_34], %broadcast_in_dim3A_1 {strides = array<i32>} : memref<16384xi32, #tpu.memory_space<vmem>>, vector<16xi32>,
      %mul3A_36 = arith.constant 128 : i32
      %mul3A_37 = arith.muli %scan3A_18, %mul3A_36 : i32
      %add3A_38 = arith.constant 48 : i32
      %add3A_39 = arith.addi %mul3A_37, %add3A_38 : i32
      %swap3A_40 = arith.index_cast %add3A_39 : i32 to index
      %swap3A_41 = tpu.vector_load %arg6[%swap3A_40] {strides = array<i32>} : memref<16384xi32, #tpu.memory_space<vmem>>, vector<16xi32>,
      tpu.vector_store %arg6[%swap3A_40], %broadcast_in_dim3A_1 {strides = array<i32>} : memref<16384xi32, #tpu.memory_space<vmem>>, vector<16xi32>,
      %mul3A_42 = arith.constant 128 : i32
      %mul3A_43 = arith.muli %scan3A_18, %mul3A_42 : i32
      %add3A_44 = arith.constant 64 : i32
      %add3A_45 = arith.addi %mul3A_43, %add3A_44 : i32
      %swap3A_46 = arith.index_cast %add3A_45 : i32 to index
      %swap3A_47 = tpu.vector_load %arg6[%swap3A_46] {strides = array<i32>} : memref<16384xi32, #tpu.memory_space<vmem>>, vector<16xi32>,
      tpu.vector_store %arg6[%swap3A_46], %broadcast_in_dim3A_1 {strides = array<i32>} : memref<16384xi32, #tpu.memory_space<vmem>>, vector<16xi32>,
      %mul3A_48 = arith.constant 128 : i32
      %mul3A_49 = arith.muli %scan3A_18, %mul3A_48 : i32
      %add3A_50 = arith.constant 80 : i32
      %add3A_51 = arith.addi %mul3A_49, %add3A_50 : i32
      %swap3A_52 = arith.index_cast %add3A_51 : i32 to index
      %swap3A_53 = tpu.vector_load %arg6[%swap3A_52] {strides = array<i32>} : memref<16384xi32, #tpu.memory_space<vmem>>, vector<16xi32>,
      tpu.vector_store %arg6[%swap3A_52], %broadcast_in_dim3A_1 {strides = array<i32>} : memref<16384xi32, #tpu.memory_space<vmem>>, vector<16xi32>,
      %mul3A_54 = arith.constant 128 : i32
      %mul3A_55 = arith.muli %scan3A_18, %mul3A_54 : i32
      %add3A_56 = arith.constant 96 : i32
      %add3A_57 = arith.addi %mul3A_55, %add3A_56 : i32
      %swap3A_58 = arith.index_cast %add3A_57 : i32 to index
      %swap3A_59 = tpu.vector_load %arg6[%swap3A_58] {strides = array<i32>} : memref<16384xi32, #tpu.memory_space<vmem>>, vector<16xi32>,
      tpu.vector_store %arg6[%swap3A_58], %broadcast_in_dim3A_1 {strides = array<i32>} : memref<16384xi32, #tpu.memory_space<vmem>>, vector<16xi32>,
      %mul3A_60 = arith.constant 128 : i32
      %mul3A_61 = arith.muli %scan3A_18, %mul3A_60 : i32
      %add3A_62 = arith.constant 112 : i32
      %add3A_63 = arith.addi %mul3A_61, %add3A_62 : i32
      %swap3A_64 = arith.index_cast %add3A_63 : i32 to index
      %swap3A_65 = tpu.vector_load %arg6[%swap3A_64] {strides = array<i32>} : memref<16384xi32, #tpu.memory_space<vmem>>, vector<16xi32>,
      tpu.vector_store %arg6[%swap3A_64], %broadcast_in_dim3A_1 {strides = array<i32>} : memref<16384xi32, #tpu.memory_space<vmem>>, vector<16xi32>,
    }
    %scan3A_8 = arith.constant 128 : i32
    "tpu.region"() ({
      %run_scoped3A = tpu.sem_alloc : memref<!tpu.dma_semaphore, #tpu.memory_space<semaphore_mem>>
      tpu.enqueue_dma source(%arg3 : memref<16xi32, #tpu.memory_space<hbm>>) target(%arg7 : memref<16xi32, #tpu.memory_space<vmem>>) target_semaphore(%run_scoped3A : memref<!tpu.dma_semaphore, #tpu.memory_space<semaphore_mem>>)
      tpu.wait_dma2 semaphore(%run_scoped3A : memref<!tpu.dma_semaphore, #tpu.memory_space<semaphore_mem>>) src(%arg3 : memref<16xi32, #tpu.memory_space<hbm>>) dst(%arg7 : memref<16xi32, #tpu.memory_space<vmem>>)
      tpu.yield
    }) : () -> ()
    %get3A = arith.constant 0 : index
    %get3A_9 = tpu.vector_load %arg7[%get3A] {strides = array<i32>} : memref<16xi32, #tpu.memory_space<vmem>>, vector<16xi32>,
    %mul3A_10 = arith.constant 32768 : i32
    %mul3A_11 = arith.muli %add3A, %mul3A_10 : i32
    "tpu.region"() ({
      %run_scoped3A = tpu.sem_alloc : memref<!tpu.dma_semaphore, #tpu.memory_space<semaphore_mem>>
      %dma_start3A = tpu.memref_slice %arg2[%mul3A_11] : memref<1048576xi32, #tpu.memory_space<hbm>> -> memref<32768xi32, #tpu.memory_space<hbm>>
      %dma_start3A_18 = tpu.memref_slice %arg2[%mul3A_11] : memref<1048576xi32, #tpu.memory_space<hbm>> -> memref<32768xi32, #tpu.memory_space<hbm>>
      tpu.enqueue_dma source(%dma_start3A_18 : memref<32768xi32, #tpu.memory_space<hbm>>) target(%arg5 : memref<32768xi32, #tpu.memory_space<vmem>>) target_semaphore(%run_scoped3A : memref<!tpu.dma_semaphore, #tpu.memory_space<semaphore_mem>>)
      %dma_wait3A = tpu.memref_slice %arg2[%mul3A_11] : memref<1048576xi32, #tpu.memory_space<hbm>> -> memref<32768xi32, #tpu.memory_space<hbm>>
      %dma_wait3A_19 = tpu.memref_slice %arg2[%mul3A_11] : memref<1048576xi32, #tpu.memory_space<hbm>> -> memref<32768xi32, #tpu.memory_space<hbm>>
      tpu.wait_dma2 semaphore(%run_scoped3A : memref<!tpu.dma_semaphore, #tpu.memory_space<semaphore_mem>>) src(%dma_wait3A_19 : memref<32768xi32, #tpu.memory_space<hbm>>) dst(%arg5 : memref<32768xi32, #tpu.memory_space<vmem>>)
      tpu.yield
    }) : () -> ()
    %scan3A_12 = arith.constant 0 : i32
    %scan3A_13 = arith.constant 0 : i32
    %scan3A_14 = arith.constant 512 : i32
    %scan3A_15 = arith.addi %scan3A_13, %scan3A_14 : i32
    %scan3A_16 = arith.constant 1 : i32
    scf.for %scan3A_18 = %scan3A_13 to %scan3A_15 step %scan3A_16  : i32 {
      %mul3A_19 = arith.constant 64 : i32
      %mul3A_20 = arith.muli %scan3A_18, %mul3A_19 : i32
      %add3A_21 = arith.constant 0 : i32
      %add3A_22 = arith.addi %mul3A_20, %add3A_21 : i32
      %get3A_23 = arith.index_cast %add3A_22 : i32 to index
      %get3A_24 = tpu.vector_load %arg5[%get3A_23] {strides = array<i32>} : memref<32768xi32, #tpu.memory_space<vmem>>, vector<16xi32>,
      %shift_right_arithmetic3A = arith.constant 10 : i32
      %shift_right_arithmetic3A_25 = vector.broadcast %shift_right_arithmetic3A : i32 to vector<16xi32>
      %shift_right_arithmetic3A_26 = arith.shrsi %get3A_24, %shift_right_arithmetic3A_25 : vector<16xi32>
      %and3A = arith.constant 1023 : i32
      %and3A_27 = vector.broadcast %and3A : i32 to vector<16xi32>
      %and3A_28 = arith.andi %shift_right_arithmetic3A_26, %and3A_27 : vector<16xi32>
      %mul3A_29 = arith.constant 16 : i32
      %mul3A_30 = vector.broadcast %mul3A_29 : i32 to vector<16xi32>
      %mul3A_31 = arith.muli %and3A_28, %mul3A_30 : vector<16xi32>
      %add3A_32 = arith.addi %mul3A_31, %iota3A : vector<16xi32>
      %shift_right_arithmetic3A_33 = arith.constant 20 : i32
      %shift_right_arithmetic3A_34 = vector.broadcast %shift_right_arithmetic3A_33 : i32 to vector<16xi32>
      %shift_right_arithmetic3A_35 = arith.shrsi %get3A_24, %shift_right_arithmetic3A_34 : vector<16xi32>
      %eq3A = arith.cmpi eq, %shift_right_arithmetic3A_35, %get3A_9 : vector<16xi32>
      tpu.vector_store_idx %arg6[%add3A_32], %broadcast_in_dim3A_3 masked %eq3A {add = true} : memref<16384xi32, #tpu.memory_space<vmem>>[vector<16xi32>], vector<16xi32>, vector<16xi1>
      %mul3A_36 = arith.constant 64 : i32
      %mul3A_37 = arith.muli %scan3A_18, %mul3A_36 : i32
      %add3A_38 = arith.constant 16 : i32
      %add3A_39 = arith.addi %mul3A_37, %add3A_38 : i32
      %get3A_40 = arith.index_cast %add3A_39 : i32 to index
      %get3A_41 = tpu.vector_load %arg5[%get3A_40] {strides = array<i32>} : memref<32768xi32, #tpu.memory_space<vmem>>, vector<16xi32>,
      %shift_right_arithmetic3A_42 = arith.constant 10 : i32
      %shift_right_arithmetic3A_43 = vector.broadcast %shift_right_arithmetic3A_42 : i32 to vector<16xi32>
      %shift_right_arithmetic3A_44 = arith.shrsi %get3A_41, %shift_right_arithmetic3A_43 : vector<16xi32>
      %and3A_45 = arith.constant 1023 : i32
      %and3A_46 = vector.broadcast %and3A_45 : i32 to vector<16xi32>
      %and3A_47 = arith.andi %shift_right_arithmetic3A_44, %and3A_46 : vector<16xi32>
      %mul3A_48 = arith.constant 16 : i32
      %mul3A_49 = vector.broadcast %mul3A_48 : i32 to vector<16xi32>
      %mul3A_50 = arith.muli %and3A_47, %mul3A_49 : vector<16xi32>
      %add3A_51 = arith.addi %mul3A_50, %iota3A : vector<16xi32>
      %shift_right_arithmetic3A_52 = arith.constant 20 : i32
      %shift_right_arithmetic3A_53 = vector.broadcast %shift_right_arithmetic3A_52 : i32 to vector<16xi32>
      %shift_right_arithmetic3A_54 = arith.shrsi %get3A_41, %shift_right_arithmetic3A_53 : vector<16xi32>
      %eq3A_55 = arith.cmpi eq, %shift_right_arithmetic3A_54, %get3A_9 : vector<16xi32>
      tpu.vector_store_idx %arg6[%add3A_51], %broadcast_in_dim3A_3 masked %eq3A_55 {add = true} : memref<16384xi32, #tpu.memory_space<vmem>>[vector<16xi32>], vector<16xi32>, vector<16xi1>
      %mul3A_56 = arith.constant 64 : i32
      %mul3A_57 = arith.muli %scan3A_18, %mul3A_56 : i32
      %add3A_58 = arith.constant 32 : i32
      %add3A_59 = arith.addi %mul3A_57, %add3A_58 : i32
      %get3A_60 = arith.index_cast %add3A_59 : i32 to index
      %get3A_61 = tpu.vector_load %arg5[%get3A_60] {strides = array<i32>} : memref<32768xi32, #tpu.memory_space<vmem>>, vector<16xi32>,
      %shift_right_arithmetic3A_62 = arith.constant 10 : i32
      %shift_right_arithmetic3A_63 = vector.broadcast %shift_right_arithmetic3A_62 : i32 to vector<16xi32>
      %shift_right_arithmetic3A_64 = arith.shrsi %get3A_61, %shift_right_arithmetic3A_63 : vector<16xi32>
      %and3A_65 = arith.constant 1023 : i32
      %and3A_66 = vector.broadcast %and3A_65 : i32 to vector<16xi32>
      %and3A_67 = arith.andi %shift_right_arithmetic3A_64, %and3A_66 : vector<16xi32>
      %mul3A_68 = arith.constant 16 : i32
      %mul3A_69 = vector.broadcast %mul3A_68 : i32 to vector<16xi32>
      %mul3A_70 = arith.muli %and3A_67, %mul3A_69 : vector<16xi32>
      %add3A_71 = arith.addi %mul3A_70, %iota3A : vector<16xi32>
      %shift_right_arithmetic3A_72 = arith.constant 20 : i32
      %shift_right_arithmetic3A_73 = vector.broadcast %shift_right_arithmetic3A_72 : i32 to vector<16xi32>
      %shift_right_arithmetic3A_74 = arith.shrsi %get3A_61, %shift_right_arithmetic3A_73 : vector<16xi32>
      %eq3A_75 = arith.cmpi eq, %shift_right_arithmetic3A_74, %get3A_9 : vector<16xi32>
      tpu.vector_store_idx %arg6[%add3A_71], %broadcast_in_dim3A_3 masked %eq3A_75 {add = true} : memref<16384xi32, #tpu.memory_space<vmem>>[vector<16xi32>], vector<16xi32>, vector<16xi1>
      %mul3A_76 = arith.constant 64 : i32
      %mul3A_77 = arith.muli %scan3A_18, %mul3A_76 : i32
      %add3A_78 = arith.constant 48 : i32
      %add3A_79 = arith.addi %mul3A_77, %add3A_78 : i32
      %get3A_80 = arith.index_cast %add3A_79 : i32 to index
      %get3A_81 = tpu.vector_load %arg5[%get3A_80] {strides = array<i32>} : memref<32768xi32, #tpu.memory_space<vmem>>, vector<16xi32>,
      %shift_right_arithmetic3A_82 = arith.constant 10 : i32
      %shift_right_arithmetic3A_83 = vector.broadcast %shift_right_arithmetic3A_82 : i32 to vector<16xi32>
      %shift_right_arithmetic3A_84 = arith.shrsi %get3A_81, %shift_right_arithmetic3A_83 : vector<16xi32>
      %and3A_85 = arith.constant 1023 : i32
      %and3A_86 = vector.broadcast %and3A_85 : i32 to vector<16xi32>
      %and3A_87 = arith.andi %shift_right_arithmetic3A_84, %and3A_86 : vector<16xi32>
      %mul3A_88 = arith.constant 16 : i32
      %mul3A_89 = vector.broadcast %mul3A_88 : i32 to vector<16xi32>
      %mul3A_90 = arith.muli %and3A_87, %mul3A_89 : vector<16xi32>
      %add3A_91 = arith.addi %mul3A_90, %iota3A : vector<16xi32>
      %shift_right_arithmetic3A_92 = arith.constant 20 : i32
      %shift_right_arithmetic3A_93 = vector.broadcast %shift_right_arithmetic3A_92 : i32 to vector<16xi32>
      %shift_right_arithmetic3A_94 = arith.shrsi %get3A_81, %shift_right_arithmetic3A_93 : vector<16xi32>
      %eq3A_95 = arith.cmpi eq, %shift_right_arithmetic3A_94, %get3A_9 : vector<16xi32>
      tpu.vector_store_idx %arg6[%add3A_91], %broadcast_in_dim3A_3 masked %eq3A_95 {add = true} : memref<16384xi32, #tpu.memory_space<vmem>>[vector<16xi32>], vector<16xi32>, vector<16xi1>
    }
    %scan3A_17 = arith.constant 512 : i32
    "tpu.region"() ({
      %run_scoped3A = tpu.sem_alloc : memref<!tpu.dma_semaphore, #tpu.memory_space<semaphore_mem>>
      %dma_start3A = arith.constant 0 : i32
      %dma_start3A_18 = tpu.memref_slice %arg4[%add3A, %dma_start3A] : memref<32x16384xi32, #tpu.memory_space<hbm>> -> memref<1x16384xi32, #tpu.memory_space<hbm>>
      %dma_start3A_19 = tpu.memref_squeeze %dma_start3A_18 : memref<1x16384xi32, #tpu.memory_space<hbm>> -> memref<16384xi32, #tpu.memory_space<hbm>>
      %dma_start3A_20 = arith.constant 0 : i32
      %dma_start3A_21 = tpu.memref_slice %arg4[%add3A, %dma_start3A_20] : memref<32x16384xi32, #tpu.memory_space<hbm>> -> memref<1x16384xi32, #tpu.memory_space<hbm>>
      %dma_start3A_22 = tpu.memref_squeeze %dma_start3A_21 : memref<1x16384xi32, #tpu.memory_space<hbm>> -> memref<16384xi32, #tpu.memory_space<hbm>>
      tpu.enqueue_dma source(%arg6 : memref<16384xi32, #tpu.memory_space<vmem>>) target(%dma_start3A_22 : memref<16384xi32, #tpu.memory_space<hbm>>) target_semaphore(%run_scoped3A : memref<!tpu.dma_semaphore, #tpu.memory_space<semaphore_mem>>)
      %dma_wait3A = arith.constant 0 : i32
      %dma_wait3A_23 = tpu.memref_slice %arg4[%add3A, %dma_wait3A] : memref<32x16384xi32, #tpu.memory_space<hbm>> -> memref<1x16384xi32, #tpu.memory_space<hbm>>
      %dma_wait3A_24 = tpu.memref_squeeze %dma_wait3A_23 : memref<1x16384xi32, #tpu.memory_space<hbm>> -> memref<16384xi32, #tpu.memory_space<hbm>>
      %dma_wait3A_25 = arith.constant 0 : i32
      %dma_wait3A_26 = tpu.memref_slice %arg4[%add3A, %dma_wait3A_25] : memref<32x16384xi32, #tpu.memory_space<hbm>> -> memref<1x16384xi32, #tpu.memory_space<hbm>>
      %dma_wait3A_27 = tpu.memref_squeeze %dma_wait3A_26 : memref<1x16384xi32, #tpu.memory_space<hbm>> -> memref<16384xi32, #tpu.memory_space<hbm>>
      tpu.wait_dma2 semaphore(%run_scoped3A : memref<!tpu.dma_semaphore, #tpu.memory_space<semaphore_mem>>) src(%arg6 : memref<16384xi32, #tpu.memory_space<vmem>>) dst(%dma_wait3A_27 : memref<16384xi32, #tpu.memory_space<hbm>>)
      tpu.yield
    }) : () -> ()
    return
  }
}

module attributes {stable_mosaic.version = 14 : i64} {
  func.func @_k0_body(%arg0: i32, %arg1: memref<512x128xf32, #tpu.memory_space<vmem>>, %arg2: memref<512x128xi32, #tpu.memory_space<vmem>>, %arg3: memref<1xf32, #tpu.memory_space<smem>>, %arg4: memref<1xf32, #tpu.memory_space<smem>>) attributes {dimension_semantics = [#tpu.dimension_semantics<arbitrary>], iteration_bounds = array<i64: 16>, scalar_prefetch = 0 : i64, scratch_operands = 1 : i64, tpu.core_type = #tpu.core_type<tc>, window_params = [{transform_indices = @transform_0, window_bounds = array<i64: 512, 128>}, {transform_indices = @transform_1, window_bounds = array<i64: 512, 128>}, {transform_indices = @transform_2, window_bounds = array<i64: 1>}]} {
    %eq3A = arith.constant 0 : i32
    %eq3A_0 = arith.cmpi eq, %arg0, %eq3A : i32
    %convert_element_type3A = arith.extui %eq3A_0 : i1 to i32
    %cond3A = arith.constant 0 : i32
    %cond3A_1 = arith.cmpi ne, %convert_element_type3A, %cond3A : i32
    scf.if %cond3A_1 {
      %swap3A_55 = arith.constant 0.000000e+00 : f32
      %swap3A_56 = arith.constant 0 : index
      %swap3A_57 = memref.load %arg4[%swap3A_56] : memref<1xf32, #tpu.memory_space<smem>>
      memref.store %swap3A_55, %arg4[%swap3A_56] : memref<1xf32, #tpu.memory_space<smem>>
    } else {
    }
    %get3A = arith.constant 0 : index
    %get3A_2 = arith.constant 0 : index
    %get3A_3 = vector.load %arg1[%get3A, %get3A_2] : memref<512x128xf32, #tpu.memory_space<vmem>>, vector<512x128xf32>
    %add3A = arith.constant 1.59859681 : f32
    %add3A_4 = vector.broadcast %add3A : f32 to vector<512x128xf32>
    %add3A_5 = arith.addf %get3A_3, %add3A_4 : vector<512x128xf32>
    %neg3A = arith.constant 0.000000e+00 : f32
    %neg3A_6 = vector.broadcast %neg3A : f32 to vector<512x128xf32>
    %neg3A_7 = arith.subf %neg3A_6, %add3A_5 : vector<512x128xf32>
    %exp3A = math.exp %neg3A_7 : vector<512x128xf32>
    %add3A_8 = arith.constant 1.000000e+00 : f32
    %add3A_9 = vector.broadcast %add3A_8 : f32 to vector<512x128xf32>
    %add3A_10 = arith.addf %add3A_9, %exp3A : vector<512x128xf32>
    %div3A = arith.constant 1.000000e+00 : f32
    %div3A_11 = vector.broadcast %div3A : f32 to vector<512x128xf32>
    %div3A_12 = arith.divf %div3A_11, %add3A_10 : vector<512x128xf32>
    %iota3A = tpu.iota {dimensions = array<i32: 0>} : vector<512x128xi32>
    %iota3A_13 = tpu.iota {dimensions = array<i32: 1>} : vector<512x128xi32>
    %mul3A = arith.constant 512 : i32
    %mul3A_14 = arith.muli %arg0, %mul3A : i32
    %add3A_15 = vector.broadcast %mul3A_14 : i32 to vector<512x128xi32>
    %add3A_16 = arith.addi %add3A_15, %iota3A : vector<512x128xi32>
    %mul3A_17 = arith.constant 128 : i32
    %mul3A_18 = vector.broadcast %mul3A_17 : i32 to vector<512x128xi32>
    %mul3A_19 = arith.muli %add3A_16, %mul3A_18 : vector<512x128xi32>
    %add3A_20 = arith.addi %mul3A_19, %iota3A_13 : vector<512x128xi32>
    %lt3A = arith.constant 1000000 : i32
    %lt3A_21 = vector.broadcast %lt3A : i32 to vector<512x128xi32>
    %lt3A_22 = arith.cmpi slt, %add3A_20, %lt3A_21 : vector<512x128xi32>
    %jit3A = arith.constant 0.000000e+00 : f32
    %broadcast_in_dim3A = vector.broadcast %jit3A : f32 to vector<512x128xf32>
    %select_n3A = arith.select %lt3A_22, %div3A_12, %broadcast_in_dim3A : vector<512x128xi1>, vector<512x128xf32>
    %get3A_23 = arith.constant 0 : index
    %get3A_24 = memref.load %arg4[%get3A_23] : memref<1xf32, #tpu.memory_space<smem>>
    %reduce_sum3A = vector.shape_cast %select_n3A : vector<512x128xf32> to vector<1x512x128xf32>
    %reduce_sum3A_25 = arith.constant dense<0.000000e+00> : vector<1xf32>
    %reduce_sum3A_26 = vector.multi_reduction <add>, %reduce_sum3A, %reduce_sum3A_25 [1, 2] : vector<1x512x128xf32> to vector<1xf32>
    %reduce_sum3A_27 = vector.shape_cast %reduce_sum3A_26 : vector<1xf32> to vector<1x1x1xf32>
    %reduce_sum3A_28 = vector.extract %reduce_sum3A_27[0, 0, 0] : f32 from vector<1x1x1xf32>
    %add3A_29 = arith.addf %get3A_24, %reduce_sum3A_28 : f32
    %swap3A = arith.constant 0 : index
    %swap3A_30 = memref.load %arg4[%swap3A] : memref<1xf32, #tpu.memory_space<smem>>
    memref.store %add3A_29, %arg4[%swap3A] : memref<1xf32, #tpu.memory_space<smem>>
    %div3A_31 = arith.constant 0.666666686 : f32
    %div3A_32 = vector.broadcast %div3A_31 : f32 to vector<512x128xf32>
    %div3A_33 = arith.divf %get3A_3, %div3A_32 : vector<512x128xf32>
    %mul3A_34 = arith.constant 8.000000e-01 : f32
    %mul3A_35 = vector.broadcast %mul3A_34 : f32 to vector<512x128xf32>
    %mul3A_36 = arith.mulf %div3A_33, %mul3A_35 : vector<512x128xf32>
    %neg3A_37 = arith.constant 0.000000e+00 : f32
    %neg3A_38 = vector.broadcast %neg3A_37 : f32 to vector<512x128xf32>
    %neg3A_39 = arith.subf %neg3A_38, %mul3A_36 : vector<512x128xf32>
    %exp3A_40 = math.exp %neg3A_39 : vector<512x128xf32>
    %add3A_41 = arith.constant 1.000000e+00 : f32
    %add3A_42 = vector.broadcast %add3A_41 : f32 to vector<512x128xf32>
    %add3A_43 = arith.addf %add3A_42, %exp3A_40 : vector<512x128xf32>
    %div3A_44 = arith.constant 1.000000e+00 : f32
    %div3A_45 = vector.broadcast %div3A_44 : f32 to vector<512x128xf32>
    %div3A_46 = arith.divf %div3A_45, %add3A_43 : vector<512x128xf32>
    %bitcast_convert_type3A = tpu.bitcast %div3A_46 : vector<512x128xf32> -> vector<512x128xi32>
    %swap3A_47 = arith.constant 0 : index
    %swap3A_48 = arith.constant 0 : index
    %swap3A_49 = vector.load %arg2[%swap3A_47, %swap3A_48] : memref<512x128xi32, #tpu.memory_space<vmem>>, vector<512x128xi32>
    tpu.vector_store %arg2[%swap3A_47, %swap3A_48], %bitcast_convert_type3A {strides = array<i32>} : memref<512x128xi32, #tpu.memory_space<vmem>>, vector<512x128xi32>,
    %eq3A_50 = arith.constant 15 : i32
    %eq3A_51 = arith.cmpi eq, %arg0, %eq3A_50 : i32
    %convert_element_type3A_52 = arith.extui %eq3A_51 : i1 to i32
    %cond3A_53 = arith.constant 0 : i32
    %cond3A_54 = arith.cmpi ne, %convert_element_type3A_52, %cond3A_53 : i32
    scf.if %cond3A_54 {
      %get3A_55 = arith.constant 0 : index
      %get3A_56 = memref.load %arg4[%get3A_55] : memref<1xf32, #tpu.memory_space<smem>>
      %swap3A_57 = arith.constant 0 : index
      %swap3A_58 = memref.load %arg3[%swap3A_57] : memref<1xf32, #tpu.memory_space<smem>>
      memref.store %get3A_56, %arg3[%swap3A_57] : memref<1xf32, #tpu.memory_space<smem>>
    } else {
    }
    return
  }
  func.func @transform_0(%arg0: i32) -> (i32, i32) {
    %c0_i32 = arith.constant 0 : i32
    %c0_i32_0 = arith.constant 0 : i32
    return %arg0, %c0_i32 : i32, i32
  }
  func.func @transform_1(%arg0: i32) -> (i32, i32) {
    %c0_i32 = arith.constant 0 : i32
    %c0_i32_0 = arith.constant 0 : i32
    return %arg0, %c0_i32 : i32, i32
  }
  func.func @transform_2(%arg0: i32) -> i32 {
    %c0_i32 = arith.constant 0 : i32
    %c0_i32_0 = arith.constant 0 : i32
    return %c0_i32 : i32
  }
}

module attributes {stable_mosaic.version = 14 : i64} {
  func.func @_select_body(%arg0: memref<32x128x128xi32, #tpu.memory_space<vmem>>, %arg1: memref<1xf32, #tpu.memory_space<smem>>, %arg2: memref<8xi32, #tpu.memory_space<smem>>, %arg3: memref<8xi32, #tpu.memory_space<smem>>, %arg4: memref<16xi32, #tpu.memory_space<smem>>) attributes {dimension_semantics = [], scalar_prefetch = 0 : i64, scratch_operands = 0 : i64, tpu.core_type = #tpu.core_type<tc>} {
    %get3A = arith.constant 0 : index
    %get3A_0 = arith.constant 0 : index
    %get3A_1 = arith.constant 0 : index
    %get3A_2 = vector.load %arg0[%get3A, %get3A_0, %get3A_1] : memref<32x128x128xi32, #tpu.memory_space<vmem>>, vector<32x128x128xi32>
    %convert_element_type3A = arith.sitofp %get3A_2 : vector<32x128x128xi32> to vector<32x128x128xf32>
    %reduce_sum3A = arith.constant dense<0.000000e+00> : vector<128x128xf32>
    %reduce_sum3A_3 = vector.multi_reduction <add>, %convert_element_type3A, %reduce_sum3A [0] : vector<32x128x128xf32> to vector<128x128xf32>
    %iota3A = tpu.iota {dimensions = array<i32: 0>} : vector<128x128xi32>
    %iota3A_4 = tpu.iota {dimensions = array<i32: 1>} : vector<128x128xi32>
    %lt3A = arith.cmpi slt, %iota3A, %iota3A_4 : vector<128x128xi32>
    %convert_element_type3A_5 = arith.extui %lt3A : vector<128x128xi1> to vector<128x128xi32>
    %convert_element_type3A_6 = arith.sitofp %convert_element_type3A_5 : vector<128x128xi32> to vector<128x128xf32>
    %lt3A_7 = arith.cmpi slt, %iota3A_4, %iota3A : vector<128x128xi32>
    %convert_element_type3A_8 = arith.extui %lt3A_7 : vector<128x128xi1> to vector<128x128xi32>
    %convert_element_type3A_9 = arith.sitofp %convert_element_type3A_8 : vector<128x128xi32> to vector<128x128xf32>
    %dot_general3A = arith.constant dense<0.000000e+00> : vector<128x128xf32>
    %dot_general3A_10 = tpu.matmul %reduce_sum3A_3, %convert_element_type3A_6, %dot_general3A {dimension_numbers = #tpu.dot_dimension_numbers<[1], [0], [0], [1], [0, 0, 1, 1], [], []>, precision = #tpu.contract_precision<fp32>, transpose_lhs_hint = false} : vector<128x128xf32>, vector<128x128xf32>, vector<128x128xf32> -> vector<128x128xf32>
    %reduce_sum3A_11 = arith.constant dense<0.000000e+00> : vector<128xf32>
    %reduce_sum3A_12 = vector.multi_reduction <add>, %reduce_sum3A_3, %reduce_sum3A_11 [1] : vector<128x128xf32> to vector<128xf32>
    %broadcast_in_dim3A = vector.shape_cast %reduce_sum3A_12 : vector<128xf32> to vector<128x1xf32>
    %dot_general3A_13 = arith.constant dense<0.000000e+00> : vector<128x1xf32>
    %dot_general3A_14 = tpu.matmul %convert_element_type3A_9, %broadcast_in_dim3A, %dot_general3A_13 {dimension_numbers = #tpu.dot_dimension_numbers<[1], [0], [0], [1], [0, 0, 1, 1], [], []>, precision = #tpu.contract_precision<fp32>, transpose_lhs_hint = false} : vector<128x128xf32>, vector<128x1xf32>, vector<128x1xf32> -> vector<128x1xf32>
    %add3A = vector.broadcast %dot_general3A_14 : vector<128x1xf32> to vector<128x128xf32>
    %add3A_15 = arith.addf %add3A, %dot_general3A_10 : vector<128x128xf32>
    %add3A_16 = arith.addf %add3A_15, %reduce_sum3A_3 : vector<128x128xf32>
    %get3A_17 = arith.constant 0 : index
    %get3A_18 = memref.load %arg1[%get3A_17] : memref<1xf32, #tpu.memory_space<smem>>
    %sub3A = arith.constant 1.000000e+06 : f32
    %sub3A_19 = arith.subf %sub3A, %get3A_18 : f32
    %round3A = math.roundeven %sub3A_19 : f32
    %jit3A = arith.constant 0.000000e+00 : f32
    %jit3A_20 = arith.constant 1.000000e+06 : f32
    %max3A = arith.maximumf %jit3A, %round3A : f32
    %min3A = arith.minimumf %jit3A_20, %max3A : f32
    %convert_element_type3A_21 = arith.fptosi %min3A : f32 to i32
    %get3A_22 = arith.constant 1 : index
    %get3A_23 = memref.load %arg2[%get3A_22] : memref<8xi32, #tpu.memory_space<smem>>
    %iota3A_24 = tpu.iota {dimensions = array<i32: 0>} : vector<128x128xi32>
    %iota3A_25 = tpu.iota {dimensions = array<i32: 1>} : vector<128x128xi32>
    %mul3A = arith.constant 128 : i32
    %mul3A_26 = vector.broadcast %mul3A : i32 to vector<128x128xi32>
    %mul3A_27 = arith.muli %iota3A_24, %mul3A_26 : vector<128x128xi32>
    %add3A_28 = arith.addi %mul3A_27, %iota3A_25 : vector<128x128xi32>
    %and3A = arith.constant 15 : i32
    %and3A_29 = vector.broadcast %and3A : i32 to vector<128x128xi32>
    %and3A_30 = arith.andi %add3A_28, %and3A_29 : vector<128x128xi32>
    %eq3A = arith.constant 15 : i32
    %eq3A_31 = vector.broadcast %eq3A : i32 to vector<128x128xi32>
    %eq3A_32 = arith.cmpi eq, %and3A_30, %eq3A_31 : vector<128x128xi32>
    %convert_element_type3A_33 = arith.sitofp %convert_element_type3A_21 : i32 to f32
    %ge3A = vector.broadcast %convert_element_type3A_33 : f32 to vector<128x128xf32>
    %ge3A_34 = arith.cmpf oge, %add3A_16, %ge3A : vector<128x128xf32>
    %and3A_35 = arith.andi %eq3A_32, %ge3A_34 : vector<128x128xi1>
    %shift_right_arithmetic3A = arith.constant 4 : i32
    %shift_right_arithmetic3A_36 = vector.broadcast %shift_right_arithmetic3A : i32 to vector<128x128xi32>
    %shift_right_arithmetic3A_37 = arith.shrsi %add3A_28, %shift_right_arithmetic3A_36 : vector<128x128xi32>
    %jit3A_38 = arith.constant 1073741824 : i32
    %broadcast_in_dim3A_39 = vector.broadcast %jit3A_38 : i32 to vector<128x128xi32>
    %select_n3A = arith.select %and3A_35, %shift_right_arithmetic3A_37, %broadcast_in_dim3A_39 : vector<128x128xi1>, vector<128x128xi32>
    %reduce_min3A = vector.shape_cast %select_n3A : vector<128x128xi32> to vector<1x128x128xi32>
    %reduce_min3A_40 = arith.constant dense<2147483647> : vector<1xi32>
    %reduce_min3A_41 = vector.multi_reduction <minsi>, %reduce_min3A, %reduce_min3A_40 [1, 2] : vector<1x128x128xi32> to vector<1xi32>
    %reduce_min3A_42 = vector.shape_cast %reduce_min3A_41 : vector<1xi32> to vector<1x1x1xi32>
    %reduce_min3A_43 = vector.extract %reduce_min3A_42[0, 0, 0] : i32 from vector<1x1x1xi32>
    %mul3A_44 = arith.constant 16 : i32
    %mul3A_45 = arith.muli %reduce_min3A_43, %mul3A_44 : i32
    %eq3A_46 = vector.broadcast %mul3A_45 : i32 to vector<128x128xi32>
    %eq3A_47 = arith.cmpi eq, %add3A_28, %eq3A_46 : vector<128x128xi32>
    %jit3A_48 = arith.constant 0.000000e+00 : f32
    %broadcast_in_dim3A_49 = vector.broadcast %jit3A_48 : f32 to vector<128x128xf32>
    %select_n3A_50 = arith.select %eq3A_47, %add3A_15, %broadcast_in_dim3A_49 : vector<128x128xi1>, vector<128x128xf32>
    %reduce_sum3A_51 = vector.shape_cast %select_n3A_50 : vector<128x128xf32> to vector<1x128x128xf32>
    %reduce_sum3A_52 = arith.constant dense<0.000000e+00> : vector<1xf32>
    %reduce_sum3A_53 = vector.multi_reduction <add>, %reduce_sum3A_51, %reduce_sum3A_52 [1, 2] : vector<1x128x128xf32> to vector<1xf32>
    %reduce_sum3A_54 = vector.shape_cast %reduce_sum3A_53 : vector<1xf32> to vector<1x1x1xf32>
    %reduce_sum3A_55 = vector.extract %reduce_sum3A_54[0, 0, 0] : f32 from vector<1x1x1xf32>
    %convert_element_type3A_56 = arith.fptosi %reduce_sum3A_55 : f32 to i32
    %sub3A_57 = arith.subi %convert_element_type3A_21, %convert_element_type3A_56 : i32
    %swap3A = arith.constant 0 : index
    %swap3A_58 = memref.load %arg3[%swap3A] : memref<8xi32, #tpu.memory_space<smem>>
    memref.store %sub3A_57, %arg3[%swap3A] : memref<8xi32, #tpu.memory_space<smem>>
    %mul3A_59 = arith.constant 1024 : i32
    %mul3A_60 = arith.muli %get3A_23, %mul3A_59 : i32
    %add3A_61 = arith.addi %mul3A_60, %reduce_min3A_43 : i32
    %swap3A_62 = arith.constant 1 : index
    %swap3A_63 = memref.load %arg3[%swap3A_62] : memref<8xi32, #tpu.memory_space<smem>>
    memref.store %add3A_61, %arg3[%swap3A_62] : memref<8xi32, #tpu.memory_space<smem>>
    %swap3A_64 = arith.constant 0 : index
    %swap3A_65 = memref.load %arg4[%swap3A_64] : memref<16xi32, #tpu.memory_space<smem>>
    memref.store %add3A_61, %arg4[%swap3A_64] : memref<16xi32, #tpu.memory_space<smem>>
    %swap3A_66 = arith.constant 1 : index
    %swap3A_67 = memref.load %arg4[%swap3A_66] : memref<16xi32, #tpu.memory_space<smem>>
    memref.store %add3A_61, %arg4[%swap3A_66] : memref<16xi32, #tpu.memory_space<smem>>
    %swap3A_68 = arith.constant 2 : index
    %swap3A_69 = memref.load %arg4[%swap3A_68] : memref<16xi32, #tpu.memory_space<smem>>
    memref.store %add3A_61, %arg4[%swap3A_68] : memref<16xi32, #tpu.memory_space<smem>>
    %swap3A_70 = arith.constant 3 : index
    %swap3A_71 = memref.load %arg4[%swap3A_70] : memref<16xi32, #tpu.memory_space<smem>>
    memref.store %add3A_61, %arg4[%swap3A_70] : memref<16xi32, #tpu.memory_space<smem>>
    %swap3A_72 = arith.constant 4 : index
    %swap3A_73 = memref.load %arg4[%swap3A_72] : memref<16xi32, #tpu.memory_space<smem>>
    memref.store %add3A_61, %arg4[%swap3A_72] : memref<16xi32, #tpu.memory_space<smem>>
    %swap3A_74 = arith.constant 5 : index
    %swap3A_75 = memref.load %arg4[%swap3A_74] : memref<16xi32, #tpu.memory_space<smem>>
    memref.store %add3A_61, %arg4[%swap3A_74] : memref<16xi32, #tpu.memory_space<smem>>
    %swap3A_76 = arith.constant 6 : index
    %swap3A_77 = memref.load %arg4[%swap3A_76] : memref<16xi32, #tpu.memory_space<smem>>
    memref.store %add3A_61, %arg4[%swap3A_76] : memref<16xi32, #tpu.memory_space<smem>>
    %swap3A_78 = arith.constant 7 : index
    %swap3A_79 = memref.load %arg4[%swap3A_78] : memref<16xi32, #tpu.memory_space<smem>>
    memref.store %add3A_61, %arg4[%swap3A_78] : memref<16xi32, #tpu.memory_space<smem>>
    %swap3A_80 = arith.constant 8 : index
    %swap3A_81 = memref.load %arg4[%swap3A_80] : memref<16xi32, #tpu.memory_space<smem>>
    memref.store %add3A_61, %arg4[%swap3A_80] : memref<16xi32, #tpu.memory_space<smem>>
    %swap3A_82 = arith.constant 9 : index
    %swap3A_83 = memref.load %arg4[%swap3A_82] : memref<16xi32, #tpu.memory_space<smem>>
    memref.store %add3A_61, %arg4[%swap3A_82] : memref<16xi32, #tpu.memory_space<smem>>
    %swap3A_84 = arith.constant 10 : index
    %swap3A_85 = memref.load %arg4[%swap3A_84] : memref<16xi32, #tpu.memory_space<smem>>
    memref.store %add3A_61, %arg4[%swap3A_84] : memref<16xi32, #tpu.memory_space<smem>>
    %swap3A_86 = arith.constant 11 : index
    %swap3A_87 = memref.load %arg4[%swap3A_86] : memref<16xi32, #tpu.memory_space<smem>>
    memref.store %add3A_61, %arg4[%swap3A_86] : memref<16xi32, #tpu.memory_space<smem>>
    %swap3A_88 = arith.constant 12 : index
    %swap3A_89 = memref.load %arg4[%swap3A_88] : memref<16xi32, #tpu.memory_space<smem>>
    memref.store %add3A_61, %arg4[%swap3A_88] : memref<16xi32, #tpu.memory_space<smem>>
    %swap3A_90 = arith.constant 13 : index
    %swap3A_91 = memref.load %arg4[%swap3A_90] : memref<16xi32, #tpu.memory_space<smem>>
    memref.store %add3A_61, %arg4[%swap3A_90] : memref<16xi32, #tpu.memory_space<smem>>
    %swap3A_92 = arith.constant 14 : index
    %swap3A_93 = memref.load %arg4[%swap3A_92] : memref<16xi32, #tpu.memory_space<smem>>
    memref.store %add3A_61, %arg4[%swap3A_92] : memref<16xi32, #tpu.memory_space<smem>>
    %swap3A_94 = arith.constant 15 : index
    %swap3A_95 = memref.load %arg4[%swap3A_94] : memref<16xi32, #tpu.memory_space<smem>>
    memref.store %add3A_61, %arg4[%swap3A_94] : memref<16xi32, #tpu.memory_space<smem>>
    return
  }
}

module attributes {stable_mosaic.version = 14 : i64} {
  func.func @_select_body(%arg0: memref<32x128x128xi32, #tpu.memory_space<vmem>>, %arg1: memref<1xf32, #tpu.memory_space<smem>>, %arg2: memref<8xi32, #tpu.memory_space<smem>>, %arg3: memref<8xi32, #tpu.memory_space<smem>>, %arg4: memref<16xi32, #tpu.memory_space<smem>>) attributes {dimension_semantics = [], scalar_prefetch = 0 : i64, scratch_operands = 0 : i64, tpu.core_type = #tpu.core_type<tc>} {
    %get3A = arith.constant 0 : index
    %get3A_0 = arith.constant 0 : index
    %get3A_1 = arith.constant 0 : index
    %get3A_2 = vector.load %arg0[%get3A, %get3A_0, %get3A_1] : memref<32x128x128xi32, #tpu.memory_space<vmem>>, vector<32x128x128xi32>
    %convert_element_type3A = arith.sitofp %get3A_2 : vector<32x128x128xi32> to vector<32x128x128xf32>
    %reduce_sum3A = arith.constant dense<0.000000e+00> : vector<128x128xf32>
    %reduce_sum3A_3 = vector.multi_reduction <add>, %convert_element_type3A, %reduce_sum3A [0] : vector<32x128x128xf32> to vector<128x128xf32>
    %iota3A = tpu.iota {dimensions = array<i32: 0>} : vector<128x128xi32>
    %iota3A_4 = tpu.iota {dimensions = array<i32: 1>} : vector<128x128xi32>
    %lt3A = arith.cmpi slt, %iota3A, %iota3A_4 : vector<128x128xi32>
    %convert_element_type3A_5 = arith.extui %lt3A : vector<128x128xi1> to vector<128x128xi32>
    %convert_element_type3A_6 = arith.sitofp %convert_element_type3A_5 : vector<128x128xi32> to vector<128x128xf32>
    %lt3A_7 = arith.cmpi slt, %iota3A_4, %iota3A : vector<128x128xi32>
    %convert_element_type3A_8 = arith.extui %lt3A_7 : vector<128x128xi1> to vector<128x128xi32>
    %convert_element_type3A_9 = arith.sitofp %convert_element_type3A_8 : vector<128x128xi32> to vector<128x128xf32>
    %dot_general3A = arith.constant dense<0.000000e+00> : vector<128x128xf32>
    %dot_general3A_10 = tpu.matmul %reduce_sum3A_3, %convert_element_type3A_6, %dot_general3A {dimension_numbers = #tpu.dot_dimension_numbers<[1], [0], [0], [1], [0, 0, 1, 1], [], []>, precision = #tpu.contract_precision<fp32>, transpose_lhs_hint = false} : vector<128x128xf32>, vector<128x128xf32>, vector<128x128xf32> -> vector<128x128xf32>
    %reduce_sum3A_11 = arith.constant dense<0.000000e+00> : vector<128xf32>
    %reduce_sum3A_12 = vector.multi_reduction <add>, %reduce_sum3A_3, %reduce_sum3A_11 [1] : vector<128x128xf32> to vector<128xf32>
    %broadcast_in_dim3A = vector.shape_cast %reduce_sum3A_12 : vector<128xf32> to vector<128x1xf32>
    %dot_general3A_13 = arith.constant dense<0.000000e+00> : vector<128x1xf32>
    %dot_general3A_14 = tpu.matmul %convert_element_type3A_9, %broadcast_in_dim3A, %dot_general3A_13 {dimension_numbers = #tpu.dot_dimension_numbers<[1], [0], [0], [1], [0, 0, 1, 1], [], []>, precision = #tpu.contract_precision<fp32>, transpose_lhs_hint = false} : vector<128x128xf32>, vector<128x1xf32>, vector<128x1xf32> -> vector<128x1xf32>
    %add3A = vector.broadcast %dot_general3A_14 : vector<128x1xf32> to vector<128x128xf32>
    %add3A_15 = arith.addf %add3A, %dot_general3A_10 : vector<128x128xf32>
    %add3A_16 = arith.addf %add3A_15, %reduce_sum3A_3 : vector<128x128xf32>
    %get3A_17 = arith.constant 0 : index
    %get3A_18 = memref.load %arg2[%get3A_17] : memref<8xi32, #tpu.memory_space<smem>>
    %get3A_19 = arith.constant 1 : index
    %get3A_20 = memref.load %arg2[%get3A_19] : memref<8xi32, #tpu.memory_space<smem>>
    %iota3A_21 = tpu.iota {dimensions = array<i32: 0>} : vector<128x128xi32>
    %iota3A_22 = tpu.iota {dimensions = array<i32: 1>} : vector<128x128xi32>
    %mul3A = arith.constant 128 : i32
    %mul3A_23 = vector.broadcast %mul3A : i32 to vector<128x128xi32>
    %mul3A_24 = arith.muli %iota3A_21, %mul3A_23 : vector<128x128xi32>
    %add3A_25 = arith.addi %mul3A_24, %iota3A_22 : vector<128x128xi32>
    %and3A = arith.constant 15 : i32
    %and3A_26 = vector.broadcast %and3A : i32 to vector<128x128xi32>
    %and3A_27 = arith.andi %add3A_25, %and3A_26 : vector<128x128xi32>
    %eq3A = arith.constant 15 : i32
    %eq3A_28 = vector.broadcast %eq3A : i32 to vector<128x128xi32>
    %eq3A_29 = arith.cmpi eq, %and3A_27, %eq3A_28 : vector<128x128xi32>
    %convert_element_type3A_30 = arith.sitofp %get3A_18 : i32 to f32
    %ge3A = vector.broadcast %convert_element_type3A_30 : f32 to vector<128x128xf32>
    %ge3A_31 = arith.cmpf oge, %add3A_16, %ge3A : vector<128x128xf32>
    %and3A_32 = arith.andi %eq3A_29, %ge3A_31 : vector<128x128xi1>
    %shift_right_arithmetic3A = arith.constant 4 : i32
    %shift_right_arithmetic3A_33 = vector.broadcast %shift_right_arithmetic3A : i32 to vector<128x128xi32>
    %shift_right_arithmetic3A_34 = arith.shrsi %add3A_25, %shift_right_arithmetic3A_33 : vector<128x128xi32>
    %jit3A = arith.constant 1073741824 : i32
    %broadcast_in_dim3A_35 = vector.broadcast %jit3A : i32 to vector<128x128xi32>
    %select_n3A = arith.select %and3A_32, %shift_right_arithmetic3A_34, %broadcast_in_dim3A_35 : vector<128x128xi1>, vector<128x128xi32>
    %reduce_min3A = vector.shape_cast %select_n3A : vector<128x128xi32> to vector<1x128x128xi32>
    %reduce_min3A_36 = arith.constant dense<2147483647> : vector<1xi32>
    %reduce_min3A_37 = vector.multi_reduction <minsi>, %reduce_min3A, %reduce_min3A_36 [1, 2] : vector<1x128x128xi32> to vector<1xi32>
    %reduce_min3A_38 = vector.shape_cast %reduce_min3A_37 : vector<1xi32> to vector<1x1x1xi32>
    %reduce_min3A_39 = vector.extract %reduce_min3A_38[0, 0, 0] : i32 from vector<1x1x1xi32>
    %mul3A_40 = arith.constant 16 : i32
    %mul3A_41 = arith.muli %reduce_min3A_39, %mul3A_40 : i32
    %eq3A_42 = vector.broadcast %mul3A_41 : i32 to vector<128x128xi32>
    %eq3A_43 = arith.cmpi eq, %add3A_25, %eq3A_42 : vector<128x128xi32>
    %jit3A_44 = arith.constant 0.000000e+00 : f32
    %broadcast_in_dim3A_45 = vector.broadcast %jit3A_44 : f32 to vector<128x128xf32>
    %select_n3A_46 = arith.select %eq3A_43, %add3A_15, %broadcast_in_dim3A_45 : vector<128x128xi1>, vector<128x128xf32>
    %reduce_sum3A_47 = vector.shape_cast %select_n3A_46 : vector<128x128xf32> to vector<1x128x128xf32>
    %reduce_sum3A_48 = arith.constant dense<0.000000e+00> : vector<1xf32>
    %reduce_sum3A_49 = vector.multi_reduction <add>, %reduce_sum3A_47, %reduce_sum3A_48 [1, 2] : vector<1x128x128xf32> to vector<1xf32>
    %reduce_sum3A_50 = vector.shape_cast %reduce_sum3A_49 : vector<1xf32> to vector<1x1x1xf32>
    %reduce_sum3A_51 = vector.extract %reduce_sum3A_50[0, 0, 0] : f32 from vector<1x1x1xf32>
    %convert_element_type3A_52 = arith.fptosi %reduce_sum3A_51 : f32 to i32
    %sub3A = arith.subi %get3A_18, %convert_element_type3A_52 : i32
    %swap3A = arith.constant 0 : index
    %swap3A_53 = memref.load %arg3[%swap3A] : memref<8xi32, #tpu.memory_space<smem>>
    memref.store %sub3A, %arg3[%swap3A] : memref<8xi32, #tpu.memory_space<smem>>
    %mul3A_54 = arith.constant 1024 : i32
    %mul3A_55 = arith.muli %get3A_20, %mul3A_54 : i32
    %add3A_56 = arith.addi %mul3A_55, %reduce_min3A_39 : i32
    %swap3A_57 = arith.constant 1 : index
    %swap3A_58 = memref.load %arg3[%swap3A_57] : memref<8xi32, #tpu.memory_space<smem>>
    memref.store %add3A_56, %arg3[%swap3A_57] : memref<8xi32, #tpu.memory_space<smem>>
    %swap3A_59 = arith.constant 0 : index
    %swap3A_60 = memref.load %arg4[%swap3A_59] : memref<16xi32, #tpu.memory_space<smem>>
    memref.store %add3A_56, %arg4[%swap3A_59] : memref<16xi32, #tpu.memory_space<smem>>
    %swap3A_61 = arith.constant 1 : index
    %swap3A_62 = memref.load %arg4[%swap3A_61] : memref<16xi32, #tpu.memory_space<smem>>
    memref.store %add3A_56, %arg4[%swap3A_61] : memref<16xi32, #tpu.memory_space<smem>>
    %swap3A_63 = arith.constant 2 : index
    %swap3A_64 = memref.load %arg4[%swap3A_63] : memref<16xi32, #tpu.memory_space<smem>>
    memref.store %add3A_56, %arg4[%swap3A_63] : memref<16xi32, #tpu.memory_space<smem>>
    %swap3A_65 = arith.constant 3 : index
    %swap3A_66 = memref.load %arg4[%swap3A_65] : memref<16xi32, #tpu.memory_space<smem>>
    memref.store %add3A_56, %arg4[%swap3A_65] : memref<16xi32, #tpu.memory_space<smem>>
    %swap3A_67 = arith.constant 4 : index
    %swap3A_68 = memref.load %arg4[%swap3A_67] : memref<16xi32, #tpu.memory_space<smem>>
    memref.store %add3A_56, %arg4[%swap3A_67] : memref<16xi32, #tpu.memory_space<smem>>
    %swap3A_69 = arith.constant 5 : index
    %swap3A_70 = memref.load %arg4[%swap3A_69] : memref<16xi32, #tpu.memory_space<smem>>
    memref.store %add3A_56, %arg4[%swap3A_69] : memref<16xi32, #tpu.memory_space<smem>>
    %swap3A_71 = arith.constant 6 : index
    %swap3A_72 = memref.load %arg4[%swap3A_71] : memref<16xi32, #tpu.memory_space<smem>>
    memref.store %add3A_56, %arg4[%swap3A_71] : memref<16xi32, #tpu.memory_space<smem>>
    %swap3A_73 = arith.constant 7 : index
    %swap3A_74 = memref.load %arg4[%swap3A_73] : memref<16xi32, #tpu.memory_space<smem>>
    memref.store %add3A_56, %arg4[%swap3A_73] : memref<16xi32, #tpu.memory_space<smem>>
    %swap3A_75 = arith.constant 8 : index
    %swap3A_76 = memref.load %arg4[%swap3A_75] : memref<16xi32, #tpu.memory_space<smem>>
    memref.store %add3A_56, %arg4[%swap3A_75] : memref<16xi32, #tpu.memory_space<smem>>
    %swap3A_77 = arith.constant 9 : index
    %swap3A_78 = memref.load %arg4[%swap3A_77] : memref<16xi32, #tpu.memory_space<smem>>
    memref.store %add3A_56, %arg4[%swap3A_77] : memref<16xi32, #tpu.memory_space<smem>>
    %swap3A_79 = arith.constant 10 : index
    %swap3A_80 = memref.load %arg4[%swap3A_79] : memref<16xi32, #tpu.memory_space<smem>>
    memref.store %add3A_56, %arg4[%swap3A_79] : memref<16xi32, #tpu.memory_space<smem>>
    %swap3A_81 = arith.constant 11 : index
    %swap3A_82 = memref.load %arg4[%swap3A_81] : memref<16xi32, #tpu.memory_space<smem>>
    memref.store %add3A_56, %arg4[%swap3A_81] : memref<16xi32, #tpu.memory_space<smem>>
    %swap3A_83 = arith.constant 12 : index
    %swap3A_84 = memref.load %arg4[%swap3A_83] : memref<16xi32, #tpu.memory_space<smem>>
    memref.store %add3A_56, %arg4[%swap3A_83] : memref<16xi32, #tpu.memory_space<smem>>
    %swap3A_85 = arith.constant 13 : index
    %swap3A_86 = memref.load %arg4[%swap3A_85] : memref<16xi32, #tpu.memory_space<smem>>
    memref.store %add3A_56, %arg4[%swap3A_85] : memref<16xi32, #tpu.memory_space<smem>>
    %swap3A_87 = arith.constant 14 : index
    %swap3A_88 = memref.load %arg4[%swap3A_87] : memref<16xi32, #tpu.memory_space<smem>>
    memref.store %add3A_56, %arg4[%swap3A_87] : memref<16xi32, #tpu.memory_space<smem>>
    %swap3A_89 = arith.constant 15 : index
    %swap3A_90 = memref.load %arg4[%swap3A_89] : memref<16xi32, #tpu.memory_space<smem>>
    memref.store %add3A_56, %arg4[%swap3A_89] : memref<16xi32, #tpu.memory_space<smem>>
    return
  }
}

module attributes {stable_mosaic.version = 14 : i64} {
  func.func @_select_body(%arg0: memref<32x128x128xi32, #tpu.memory_space<vmem>>, %arg1: memref<1xf32, #tpu.memory_space<smem>>, %arg2: memref<8xi32, #tpu.memory_space<smem>>, %arg3: memref<8xi32, #tpu.memory_space<smem>>, %arg4: memref<16xi32, #tpu.memory_space<smem>>) attributes {dimension_semantics = [], scalar_prefetch = 0 : i64, scratch_operands = 0 : i64, tpu.core_type = #tpu.core_type<tc>} {
    %get3A = arith.constant 0 : index
    %get3A_0 = arith.constant 0 : index
    %get3A_1 = arith.constant 0 : index
    %get3A_2 = vector.load %arg0[%get3A, %get3A_0, %get3A_1] : memref<32x128x128xi32, #tpu.memory_space<vmem>>, vector<32x128x128xi32>
    %convert_element_type3A = arith.sitofp %get3A_2 : vector<32x128x128xi32> to vector<32x128x128xf32>
    %reduce_sum3A = arith.constant dense<0.000000e+00> : vector<128x128xf32>
    %reduce_sum3A_3 = vector.multi_reduction <add>, %convert_element_type3A, %reduce_sum3A [0] : vector<32x128x128xf32> to vector<128x128xf32>
    %iota3A = tpu.iota {dimensions = array<i32: 0>} : vector<128x128xi32>
    %iota3A_4 = tpu.iota {dimensions = array<i32: 1>} : vector<128x128xi32>
    %lt3A = arith.cmpi slt, %iota3A, %iota3A_4 : vector<128x128xi32>
    %convert_element_type3A_5 = arith.extui %lt3A : vector<128x128xi1> to vector<128x128xi32>
    %convert_element_type3A_6 = arith.sitofp %convert_element_type3A_5 : vector<128x128xi32> to vector<128x128xf32>
    %lt3A_7 = arith.cmpi slt, %iota3A_4, %iota3A : vector<128x128xi32>
    %convert_element_type3A_8 = arith.extui %lt3A_7 : vector<128x128xi1> to vector<128x128xi32>
    %convert_element_type3A_9 = arith.sitofp %convert_element_type3A_8 : vector<128x128xi32> to vector<128x128xf32>
    %dot_general3A = arith.constant dense<0.000000e+00> : vector<128x128xf32>
    %dot_general3A_10 = tpu.matmul %reduce_sum3A_3, %convert_element_type3A_6, %dot_general3A {dimension_numbers = #tpu.dot_dimension_numbers<[1], [0], [0], [1], [0, 0, 1, 1], [], []>, precision = #tpu.contract_precision<fp32>, transpose_lhs_hint = false} : vector<128x128xf32>, vector<128x128xf32>, vector<128x128xf32> -> vector<128x128xf32>
    %reduce_sum3A_11 = arith.constant dense<0.000000e+00> : vector<128xf32>
    %reduce_sum3A_12 = vector.multi_reduction <add>, %reduce_sum3A_3, %reduce_sum3A_11 [1] : vector<128x128xf32> to vector<128xf32>
    %broadcast_in_dim3A = vector.shape_cast %reduce_sum3A_12 : vector<128xf32> to vector<128x1xf32>
    %dot_general3A_13 = arith.constant dense<0.000000e+00> : vector<128x1xf32>
    %dot_general3A_14 = tpu.matmul %convert_element_type3A_9, %broadcast_in_dim3A, %dot_general3A_13 {dimension_numbers = #tpu.dot_dimension_numbers<[1], [0], [0], [1], [0, 0, 1, 1], [], []>, precision = #tpu.contract_precision<fp32>, transpose_lhs_hint = false} : vector<128x128xf32>, vector<128x1xf32>, vector<128x1xf32> -> vector<128x1xf32>
    %add3A = vector.broadcast %dot_general3A_14 : vector<128x1xf32> to vector<128x128xf32>
    %add3A_15 = arith.addf %add3A, %dot_general3A_10 : vector<128x128xf32>
    %add3A_16 = arith.addf %add3A_15, %reduce_sum3A_3 : vector<128x128xf32>
    %get3A_17 = arith.constant 0 : index
    %get3A_18 = memref.load %arg2[%get3A_17] : memref<8xi32, #tpu.memory_space<smem>>
    %get3A_19 = arith.constant 1 : index
    %get3A_20 = memref.load %arg2[%get3A_19] : memref<8xi32, #tpu.memory_space<smem>>
    %iota3A_21 = tpu.iota {dimensions = array<i32: 0>} : vector<128x128xi32>
    %iota3A_22 = tpu.iota {dimensions = array<i32: 1>} : vector<128x128xi32>
    %mul3A = arith.constant 128 : i32
    %mul3A_23 = vector.broadcast %mul3A : i32 to vector<128x128xi32>
    %mul3A_24 = arith.muli %iota3A_21, %mul3A_23 : vector<128x128xi32>
    %add3A_25 = arith.addi %mul3A_24, %iota3A_22 : vector<128x128xi32>
    %and3A = arith.constant 15 : i32
    %and3A_26 = vector.broadcast %and3A : i32 to vector<128x128xi32>
    %and3A_27 = arith.andi %add3A_25, %and3A_26 : vector<128x128xi32>
    %eq3A = arith.constant 15 : i32
    %eq3A_28 = vector.broadcast %eq3A : i32 to vector<128x128xi32>
    %eq3A_29 = arith.cmpi eq, %and3A_27, %eq3A_28 : vector<128x128xi32>
    %convert_element_type3A_30 = arith.sitofp %get3A_18 : i32 to f32
    %ge3A = vector.broadcast %convert_element_type3A_30 : f32 to vector<128x128xf32>
    %ge3A_31 = arith.cmpf oge, %add3A_16, %ge3A : vector<128x128xf32>
    %and3A_32 = arith.andi %eq3A_29, %ge3A_31 : vector<128x128xi1>
    %shift_right_arithmetic3A = arith.constant 4 : i32
    %shift_right_arithmetic3A_33 = vector.broadcast %shift_right_arithmetic3A : i32 to vector<128x128xi32>
    %shift_right_arithmetic3A_34 = arith.shrsi %add3A_25, %shift_right_arithmetic3A_33 : vector<128x128xi32>
    %jit3A = arith.constant 1073741824 : i32
    %broadcast_in_dim3A_35 = vector.broadcast %jit3A : i32 to vector<128x128xi32>
    %select_n3A = arith.select %and3A_32, %shift_right_arithmetic3A_34, %broadcast_in_dim3A_35 : vector<128x128xi1>, vector<128x128xi32>
    %reduce_min3A = vector.shape_cast %select_n3A : vector<128x128xi32> to vector<1x128x128xi32>
    %reduce_min3A_36 = arith.constant dense<2147483647> : vector<1xi32>
    %reduce_min3A_37 = vector.multi_reduction <minsi>, %reduce_min3A, %reduce_min3A_36 [1, 2] : vector<1x128x128xi32> to vector<1xi32>
    %reduce_min3A_38 = vector.shape_cast %reduce_min3A_37 : vector<1xi32> to vector<1x1x1xi32>
    %reduce_min3A_39 = vector.extract %reduce_min3A_38[0, 0, 0] : i32 from vector<1x1x1xi32>
    %mul3A_40 = arith.constant 16 : i32
    %mul3A_41 = arith.muli %reduce_min3A_39, %mul3A_40 : i32
    %eq3A_42 = vector.broadcast %mul3A_41 : i32 to vector<128x128xi32>
    %eq3A_43 = arith.cmpi eq, %add3A_25, %eq3A_42 : vector<128x128xi32>
    %jit3A_44 = arith.constant 0.000000e+00 : f32
    %broadcast_in_dim3A_45 = vector.broadcast %jit3A_44 : f32 to vector<128x128xf32>
    %select_n3A_46 = arith.select %eq3A_43, %add3A_15, %broadcast_in_dim3A_45 : vector<128x128xi1>, vector<128x128xf32>
    %reduce_sum3A_47 = vector.shape_cast %select_n3A_46 : vector<128x128xf32> to vector<1x128x128xf32>
    %reduce_sum3A_48 = arith.constant dense<0.000000e+00> : vector<1xf32>
    %reduce_sum3A_49 = vector.multi_reduction <add>, %reduce_sum3A_47, %reduce_sum3A_48 [1, 2] : vector<1x128x128xf32> to vector<1xf32>
    %reduce_sum3A_50 = vector.shape_cast %reduce_sum3A_49 : vector<1xf32> to vector<1x1x1xf32>
    %reduce_sum3A_51 = vector.extract %reduce_sum3A_50[0, 0, 0] : f32 from vector<1x1x1xf32>
    %convert_element_type3A_52 = arith.fptosi %reduce_sum3A_51 : f32 to i32
    %sub3A = arith.subi %get3A_18, %convert_element_type3A_52 : i32
    %swap3A = arith.constant 0 : index
    %swap3A_53 = memref.load %arg3[%swap3A] : memref<8xi32, #tpu.memory_space<smem>>
    memref.store %sub3A, %arg3[%swap3A] : memref<8xi32, #tpu.memory_space<smem>>
    %mul3A_54 = arith.constant 1024 : i32
    %mul3A_55 = arith.muli %get3A_20, %mul3A_54 : i32
    %add3A_56 = arith.addi %mul3A_55, %reduce_min3A_39 : i32
    %swap3A_57 = arith.constant 1 : index
    %swap3A_58 = memref.load %arg3[%swap3A_57] : memref<8xi32, #tpu.memory_space<smem>>
    memref.store %add3A_56, %arg3[%swap3A_57] : memref<8xi32, #tpu.memory_space<smem>>
    %swap3A_59 = arith.constant 0 : index
    %swap3A_60 = memref.load %arg4[%swap3A_59] : memref<16xi32, #tpu.memory_space<smem>>
    memref.store %add3A_56, %arg4[%swap3A_59] : memref<16xi32, #tpu.memory_space<smem>>
    %swap3A_61 = arith.constant 1 : index
    %swap3A_62 = memref.load %arg4[%swap3A_61] : memref<16xi32, #tpu.memory_space<smem>>
    memref.store %add3A_56, %arg4[%swap3A_61] : memref<16xi32, #tpu.memory_space<smem>>
    %swap3A_63 = arith.constant 2 : index
    %swap3A_64 = memref.load %arg4[%swap3A_63] : memref<16xi32, #tpu.memory_space<smem>>
    memref.store %add3A_56, %arg4[%swap3A_63] : memref<16xi32, #tpu.memory_space<smem>>
    %swap3A_65 = arith.constant 3 : index
    %swap3A_66 = memref.load %arg4[%swap3A_65] : memref<16xi32, #tpu.memory_space<smem>>
    memref.store %add3A_56, %arg4[%swap3A_65] : memref<16xi32, #tpu.memory_space<smem>>
    %swap3A_67 = arith.constant 4 : index
    %swap3A_68 = memref.load %arg4[%swap3A_67] : memref<16xi32, #tpu.memory_space<smem>>
    memref.store %add3A_56, %arg4[%swap3A_67] : memref<16xi32, #tpu.memory_space<smem>>
    %swap3A_69 = arith.constant 5 : index
    %swap3A_70 = memref.load %arg4[%swap3A_69] : memref<16xi32, #tpu.memory_space<smem>>
    memref.store %add3A_56, %arg4[%swap3A_69] : memref<16xi32, #tpu.memory_space<smem>>
    %swap3A_71 = arith.constant 6 : index
    %swap3A_72 = memref.load %arg4[%swap3A_71] : memref<16xi32, #tpu.memory_space<smem>>
    memref.store %add3A_56, %arg4[%swap3A_71] : memref<16xi32, #tpu.memory_space<smem>>
    %swap3A_73 = arith.constant 7 : index
    %swap3A_74 = memref.load %arg4[%swap3A_73] : memref<16xi32, #tpu.memory_space<smem>>
    memref.store %add3A_56, %arg4[%swap3A_73] : memref<16xi32, #tpu.memory_space<smem>>
    %swap3A_75 = arith.constant 8 : index
    %swap3A_76 = memref.load %arg4[%swap3A_75] : memref<16xi32, #tpu.memory_space<smem>>
    memref.store %add3A_56, %arg4[%swap3A_75] : memref<16xi32, #tpu.memory_space<smem>>
    %swap3A_77 = arith.constant 9 : index
    %swap3A_78 = memref.load %arg4[%swap3A_77] : memref<16xi32, #tpu.memory_space<smem>>
    memref.store %add3A_56, %arg4[%swap3A_77] : memref<16xi32, #tpu.memory_space<smem>>
    %swap3A_79 = arith.constant 10 : index
    %swap3A_80 = memref.load %arg4[%swap3A_79] : memref<16xi32, #tpu.memory_space<smem>>
    memref.store %add3A_56, %arg4[%swap3A_79] : memref<16xi32, #tpu.memory_space<smem>>
    %swap3A_81 = arith.constant 11 : index
    %swap3A_82 = memref.load %arg4[%swap3A_81] : memref<16xi32, #tpu.memory_space<smem>>
    memref.store %add3A_56, %arg4[%swap3A_81] : memref<16xi32, #tpu.memory_space<smem>>
    %swap3A_83 = arith.constant 12 : index
    %swap3A_84 = memref.load %arg4[%swap3A_83] : memref<16xi32, #tpu.memory_space<smem>>
    memref.store %add3A_56, %arg4[%swap3A_83] : memref<16xi32, #tpu.memory_space<smem>>
    %swap3A_85 = arith.constant 13 : index
    %swap3A_86 = memref.load %arg4[%swap3A_85] : memref<16xi32, #tpu.memory_space<smem>>
    memref.store %add3A_56, %arg4[%swap3A_85] : memref<16xi32, #tpu.memory_space<smem>>
    %swap3A_87 = arith.constant 14 : index
    %swap3A_88 = memref.load %arg4[%swap3A_87] : memref<16xi32, #tpu.memory_space<smem>>
    memref.store %add3A_56, %arg4[%swap3A_87] : memref<16xi32, #tpu.memory_space<smem>>
    %swap3A_89 = arith.constant 15 : index
    %swap3A_90 = memref.load %arg4[%swap3A_89] : memref<16xi32, #tpu.memory_space<smem>>
    memref.store %add3A_56, %arg4[%swap3A_89] : memref<16xi32, #tpu.memory_space<smem>>
    return
  }
}

module attributes {stable_mosaic.version = 14 : i64} {
  func.func @_k7_body(%arg0: i32, %arg1: memref<512x128xi32, #tpu.memory_space<vmem>>, %arg2: memref<8xi32, #tpu.memory_space<smem>>, %arg3: memref<512x128xf32, #tpu.memory_space<vmem>>, %arg4: memref<1xf32, #tpu.memory_space<smem>>) attributes {dimension_semantics = [#tpu.dimension_semantics<arbitrary>], iteration_bounds = array<i64: 16>, scalar_prefetch = 0 : i64, scratch_operands = 1 : i64, tpu.core_type = #tpu.core_type<tc>, window_params = [{transform_indices = @transform_0, window_bounds = array<i64: 512, 128>}, {transform_indices = @transform_1, window_bounds = array<i64: 8>}, {transform_indices = @transform_2, window_bounds = array<i64: 512, 128>}]} {
    %eq3A = arith.constant 0 : i32
    %eq3A_0 = arith.cmpi eq, %arg0, %eq3A : i32
    %convert_element_type3A = arith.extui %eq3A_0 : i1 to i32
    %cond3A = arith.constant 0 : i32
    %cond3A_1 = arith.cmpi ne, %convert_element_type3A, %cond3A : i32
    scf.if %cond3A_1 {
      %swap3A_47 = arith.constant 0.000000e+00 : f32
      %swap3A_48 = arith.constant 0 : index
      %swap3A_49 = memref.load %arg4[%swap3A_48] : memref<1xf32, #tpu.memory_space<smem>>
      memref.store %swap3A_47, %arg4[%swap3A_48] : memref<1xf32, #tpu.memory_space<smem>>
    } else {
    }
    %get3A = arith.constant 0 : index
    %get3A_2 = memref.load %arg2[%get3A] : memref<8xi32, #tpu.memory_space<smem>>
    %get3A_3 = arith.constant 1 : index
    %get3A_4 = memref.load %arg2[%get3A_3] : memref<8xi32, #tpu.memory_space<smem>>
    %get3A_5 = arith.constant 0 : index
    %get3A_6 = arith.constant 0 : index
    %get3A_7 = vector.load %arg1[%get3A_5, %get3A_6] : memref<512x128xi32, #tpu.memory_space<vmem>>, vector<512x128xi32>
    %bitcast_convert_type3A = tpu.bitcast %get3A_7 : vector<512x128xi32> -> vector<512x128xf32>
    %eq3A_8 = vector.broadcast %get3A_4 : i32 to vector<512x128xi32>
    %eq3A_9 = arith.cmpi eq, %get3A_7, %eq3A_8 : vector<512x128xi32>
    %convert_element_type3A_10 = arith.extui %eq3A_9 : vector<512x128xi1> to vector<512x128xi32>
    %convert_element_type3A_11 = arith.sitofp %convert_element_type3A_10 : vector<512x128xi32> to vector<512x128xf32>
    %iota3A = tpu.iota {dimensions = array<i32: 0>} : vector<128x128xi32>
    %iota3A_12 = tpu.iota {dimensions = array<i32: 1>} : vector<128x128xi32>
    %lt3A = arith.cmpi slt, %iota3A, %iota3A_12 : vector<128x128xi32>
    %convert_element_type3A_13 = arith.extui %lt3A : vector<128x128xi1> to vector<128x128xi32>
    %convert_element_type3A_14 = arith.sitofp %convert_element_type3A_13 : vector<128x128xi32> to vector<128x128xf32>
    %iota3A_15 = tpu.iota {dimensions = array<i32: 0>} : vector<512x512xi32>
    %iota3A_16 = tpu.iota {dimensions = array<i32: 1>} : vector<512x512xi32>
    %lt3A_17 = arith.cmpi slt, %iota3A_16, %iota3A_15 : vector<512x512xi32>
    %convert_element_type3A_18 = arith.extui %lt3A_17 : vector<512x512xi1> to vector<512x512xi32>
    %convert_element_type3A_19 = arith.sitofp %convert_element_type3A_18 : vector<512x512xi32> to vector<512x512xf32>
    %dot_general3A = arith.constant dense<0.000000e+00> : vector<512x128xf32>
    %dot_general3A_20 = tpu.matmul %convert_element_type3A_11, %convert_element_type3A_14, %dot_general3A {dimension_numbers = #tpu.dot_dimension_numbers<[1], [0], [0], [1], [0, 0, 1, 1], [], []>, precision = #tpu.contract_precision<fp32>, transpose_lhs_hint = false} : vector<512x128xf32>, vector<128x128xf32>, vector<512x128xf32> -> vector<512x128xf32>
    %reduce_sum3A = arith.constant dense<0.000000e+00> : vector<512xf32>
    %reduce_sum3A_21 = vector.multi_reduction <add>, %convert_element_type3A_11, %reduce_sum3A [1] : vector<512x128xf32> to vector<512xf32>
    %broadcast_in_dim3A = vector.shape_cast %reduce_sum3A_21 : vector<512xf32> to vector<512x1xf32>
    %dot_general3A_22 = arith.constant dense<0.000000e+00> : vector<512x1xf32>
    %dot_general3A_23 = tpu.matmul %convert_element_type3A_19, %broadcast_in_dim3A, %dot_general3A_22 {dimension_numbers = #tpu.dot_dimension_numbers<[1], [0], [0], [1], [0, 0, 1, 1], [], []>, precision = #tpu.contract_precision<fp32>, transpose_lhs_hint = false} : vector<512x512xf32>, vector<512x1xf32>, vector<512x1xf32> -> vector<512x1xf32>
    %get3A_24 = arith.constant 0 : index
    %get3A_25 = memref.load %arg4[%get3A_24] : memref<1xf32, #tpu.memory_space<smem>>
    %add3A = vector.broadcast %get3A_25 : f32 to vector<512x1xf32>
    %add3A_26 = arith.addf %add3A, %dot_general3A_23 : vector<512x1xf32>
    %add3A_27 = vector.broadcast %add3A_26 : vector<512x1xf32> to vector<512x128xf32>
    %add3A_28 = arith.addf %add3A_27, %dot_general3A_20 : vector<512x128xf32>
    %lt3A_29 = vector.broadcast %get3A_4 : i32 to vector<512x128xi32>
    %lt3A_30 = arith.cmpi slt, %get3A_7, %lt3A_29 : vector<512x128xi32>
    %convert_element_type3A_31 = arith.sitofp %get3A_2 : i32 to f32
    %lt3A_32 = vector.broadcast %convert_element_type3A_31 : f32 to vector<512x128xf32>
    %lt3A_33 = arith.cmpf olt, %add3A_28, %lt3A_32 : vector<512x128xf32>
    %and3A = arith.andi %eq3A_9, %lt3A_33 : vector<512x128xi1>
    %or3A = arith.ori %lt3A_30, %and3A : vector<512x128xi1>
    %jit3A = arith.constant 0.000000e+00 : f32
    %broadcast_in_dim3A_34 = vector.broadcast %jit3A : f32 to vector<512x128xf32>
    %select_n3A = arith.select %or3A, %broadcast_in_dim3A_34, %bitcast_convert_type3A : vector<512x128xi1>, vector<512x128xf32>
    %swap3A = arith.constant 0 : index
    %swap3A_35 = arith.constant 0 : index
    %swap3A_36 = vector.load %arg3[%swap3A, %swap3A_35] : memref<512x128xf32, #tpu.memory_space<vmem>>, vector<512x128xf32>
    tpu.vector_store %arg3[%swap3A, %swap3A_35], %select_n3A {strides = array<i32>} : memref<512x128xf32, #tpu.memory_space<vmem>>, vector<512x128xf32>,
    %get3A_37 = arith.constant 0 : index
    %get3A_38 = memref.load %arg4[%get3A_37] : memref<1xf32, #tpu.memory_space<smem>>
    %reduce_sum3A_39 = vector.shape_cast %convert_element_type3A_11 : vector<512x128xf32> to vector<1x512x128xf32>
    %reduce_sum3A_40 = arith.constant dense<0.000000e+00> : vector<1xf32>
    %reduce_sum3A_41 = vector.multi_reduction <add>, %reduce_sum3A_39, %reduce_sum3A_40 [1, 2] : vector<1x512x128xf32> to vector<1xf32>
    %reduce_sum3A_42 = vector.shape_cast %reduce_sum3A_41 : vector<1xf32> to vector<1x1x1xf32>
    %reduce_sum3A_43 = vector.extract %reduce_sum3A_42[0, 0, 0] : f32 from vector<1x1x1xf32>
    %add3A_44 = arith.addf %get3A_38, %reduce_sum3A_43 : f32
    %swap3A_45 = arith.constant 0 : index
    %swap3A_46 = memref.load %arg4[%swap3A_45] : memref<1xf32, #tpu.memory_space<smem>>
    memref.store %add3A_44, %arg4[%swap3A_45] : memref<1xf32, #tpu.memory_space<smem>>
    return
  }
  func.func @transform_0(%arg0: i32) -> (i32, i32) {
    %c0_i32 = arith.constant 0 : i32
    %c0_i32_0 = arith.constant 0 : i32
    return %arg0, %c0_i32 : i32, i32
  }
  func.func @transform_1(%arg0: i32) -> i32 {
    %c0_i32 = arith.constant 0 : i32
    %c0_i32_0 = arith.constant 0 : i32
    return %c0_i32 : i32
  }
  func.func @transform_2(%arg0: i32) -> (i32, i32) {
    %c0_i32 = arith.constant 0 : i32
    %c0_i32_0 = arith.constant 0 : i32
    return %arg0, %c0_i32 : i32, i32
  }
}

</mosaic_0001>

<sc_bundles>
// kernel: kernel.10.cloned.1.call-start
scs
__scs_entry_jumppad:
0x0: {  	(pc) =	sbr.rel $0x88, $3  }
0x1: {  	(tag) =	ssettag $0x0;
	lr =	simm.s32 $0x1  }
0x2: {  	[smem:$0x3FA0] =	sst lr;
	_ =	strace $0xD0000000  }
0x3: {  	_ = 	snop  }
0x4: {  	_ = 	snop  }
0x5: {  	_ = 	snop  }
0x6: {  	_ = 	snop  }
0x7: {  	_ = 	snop  }
__scs_overlays_trampoline_lowered:
0x8: {  	[smem:$0x3FAF] =	sst s0  }
0x9: {  	[smem:$0x3FB0] =	sst s1  }
0xa: {  	[smem:$0x3FB1] =	sst s2  }
0xb: {  	[smem:$0x3FB2] =	sst s3  }
0xc: {  	[smem:$0x3FB3] =	sst s4  }
0xd: {  	[smem:$0x3FB4] =	sst s5  }
0xe: {  	[smem:$0x3FB5] =	sst s6  }
0xf: {  	[smem:$0x3FB6] =	sst s7  }
0x10: {  	[smem:$0x3FB7] =	sst s8  }
0x11: {  	[smem:$0x3FB8] =	sst s9;
	s0 =	simm.s32 @!p0 $0x0  }
0x12: {  	s1 =	sld [smem:$0x3F9E];
	s0 =	simm.s32 @p0 $0x1  }
0x13: {  	[smem:$0x3FB9] =	sst s0;
	s0 =	simm.s32 @!p1 $0x0  }
0x14: {  	s2 =	sld [smem:$0x3F9D];
	s0 =	simm.s32 @p1 $0x1  }
0x15: {  	[smem:$0x3FBA] =	sst s0;
	s0 =	simm.s32 @!p2 $0x0  }
0x16: {  	s3 =	sld [smem:$0x3FDB];
	s0 =	simm.s32 @p2 $0x1  }
0x17: {  	s4 =	simm.s32 $0x1BF5;
	[smem:$0x3FBC] =	sst s0  }
0x18: {  	s0 =	sld [smem:$0x3F9F];
	_ =	swait.ge [sflag:s4], $0x0  }
0x19: {  	s7 =	sld [smem:$0x3FA0]  }
0x1a: {  	s8 =	sadd.s32 $0xFFFFE003, lr  }
0x1b: {  	s9 =	sadd.s32 $0xFFFFFEF7, lr;
	s5 =	simm.s32 $0xFFFFFFFF;
	p2 =	slt.u32 s8, $0xFFFFF086  }
0x1c: {  	p1 =	slt.u32 s9, $0xF7A;
	s5 =	simm.s32 @!p2 $0x0  }
0x1d: {  	s5 =	simm.s32 @p1 $0x1;
	p0 =	seq.s32 s7, s2  }
0x1e: {  	s7 =	smul.u32 @!p0 $0xF7A, s2;
	p2 =	seq.s32 @!p0 s5, $0x0  }
0x1f: {  	s9 =	smul.u32 $0xF7A, s1;
	s8 =	simm.s32 @!p0 $0x1BF5;
	p2 =	por !p2, p0  }
0x20: {  	[sflag:s8] =	ssyncset.s32 @!p0 $0xFFFFF086;
	s6 =	sadd.s32 @!p0 s3, s7;
	s7 =	simm.s32 @!p0 $0x108  }
0x21: {  	s3 =	sadd.s32 s3, s9;
	s6 =	sadd.s32 @!p0 $0x88, s6;
	s7 =	simm.s32 @p2 $0x1082  }
0x22: {  	[simem:s7], [sflag:s8] =	dma.local @!p0 [hbm:s6], $0xF7A  }
0x23: {  	s9 =	sor.u32 $0xD0000000, s2;
	s6 =	simm.s32 $0x108;
	_ =	swait.ge @!p0 [sflag:s8], $0x0  }
0x24: {  	s3 =	sadd.s32 $0x88, s3;
	s6 =	simm.s32 @!p1 $0x1082;
	[sflag:s4] =	ssyncset.s32 $0xFFFFF086  }
0x25: {  	[simem:s6], [sflag:s4] =	dma.local [hbm:s3], $0xF7A  }
0x26: {  	[smem:$0x3FA0] =	sst s1;
	(tag) =	ssettag s2;
	_ =	strace s9  }
0x27: {  	s1 =	sld [smem:$0x3FB0]  }
0x28: {  	s2 =	sld [smem:$0x3FB1]  }
0x29: {  	s4 =	sld [smem:$0x3FB3]  }
0x2a: {  	p0 =	seq.s32 s5, $0x0;
	s5 =	sld [smem:$0x3FB4]  }
0x2b: {  	s6 =	sld [smem:$0x3FB5]  }
0x2c: {  	s7 =	sld [smem:$0x3FB6]  }
0x2d: {  	s3 =	simm.s32 $0x108;
	s8 =	sld [smem:$0x3FB7]  }
0x2e: {  	s3 =	simm.s32 @!p0 $0x1082;
	s9 =	sld [smem:$0x3FB8]  }
0x2f: {  	lr =	sadd.s32 s0, s3;
	s0 =	sld [smem:$0x3FAF]  }
0x30: {  	s3 =	sld [smem:$0x3FB2]  }
0x31: {  	[smem:$0x3FBB] =	sst s10  }
0x32: {  	s10 =	sld [smem:$0x3FB9];
	_ =	sdelay $0x3  }
0x33: {  	p0 =	seq.s32 s10, $0x1;
	s10 =	sld [smem:$0x3FBB];
	_ =	sdelay $0x3  }
0x34: {  	[smem:$0x3FBB] =	sst s10  }
0x35: {  	s10 =	sld [smem:$0x3FBA];
	_ =	sdelay $0x3  }
0x36: {  	p1 =	seq.s32 s10, $0x1;
	s10 =	sld [smem:$0x3FBB];
	_ =	sdelay $0x3  }
0x37: {  	[smem:$0x3FBB] =	sst s10  }
0x38: {  	s10 =	sld [smem:$0x3FBC]  }
0x39: {  	_ = 	snop;
	(pc) =	sbr.ind lr, $3  }
0x3a: {  	_ = 	snop  }
0x3b: {  	_ = 	snop  }
0x3c: {  	p2 =	seq.s32 s10, $0x1;
	s10 =	sld [smem:$0x3FBB]  }
0x3d: {  	_ =	shalt  }
0x3e: {  	_ =	shalt  }
0x3f: {  	_ =	shalt  }
0x40: {  	_ =	shalt  }
0x41: {  	_ =	shalt  }
0x42: {  	_ =	shalt  }
0x43: {  	_ =	shalt  }
0x44: {  	_ =	shalt  }
0x45: {  	_ =	shalt  }
0x46: {  	_ =	shalt  }
0x47: {  	_ =	shalt  }
0x48: {  	_ =	shalt  }
0x49: {  	_ =	shalt  }
0x4a: {  	_ =	shalt  }
0x4b: {  	_ =	shalt  }
0x4c: {  	_ =	shalt  }
0x4d: {  	_ =	shalt  }
0x4e: {  	_ =	shalt  }
0x4f: {  	_ =	shalt  }
0x50: {  	_ =	shalt  }
0x51: {  	_ =	shalt  }
0x52: {  	_ =	shalt  }
0x53: {  	_ =	shalt  }
0x54: {  	_ =	shalt  }
0x55: {  	_ =	shalt  }
0x56: {  	_ =	shalt  }
0x57: {  	_ =	shalt  }
0x58: {  	_ =	shalt  }
0x59: {  	_ =	shalt  }
0x5a: {  	_ =	shalt  }
0x5b: {  	_ =	shalt  }
0x5c: {  	_ =	shalt  }
0x5d: {  	_ =	shalt  }
0x5e: {  	_ =	shalt  }
0x5f: {  	_ =	shalt  }
0x60: {  	_ =	shalt  }
0x61: {  	_ =	shalt  }
0x62: {  	_ =	shalt  }
0x63: {  	_ =	shalt  }
0x64: {  	_ =	shalt  }
0x65: {  	_ =	shalt  }
0x66: {  	_ =	shalt  }
0x67: {  	_ =	shalt  }
0x68: {  	_ =	shalt  }
0x69: {  	_ =	shalt  }
0x6a: {  	_ =	shalt  }
0x6b: {  	_ =	shalt  }
0x6c: {  	_ =	shalt  }
0x6d: {  	_ =	shalt  }
0x6e: {  	_ =	shalt  }
0x6f: {  	_ =	shalt  }
0x70: {  	_ =	shalt  }
0x71: {  	_ =	shalt  }
0x72: {  	_ =	shalt  }
0x73: {  	_ =	shalt  }
0x74: {  	_ =	shalt  }
0x75: {  	_ =	shalt  }
0x76: {  	_ =	shalt  }
0x77: {  	_ =	shalt  }
0x78: {  	_ =	shalt  }
0x79: {  	_ =	shalt  }
0x7a: {  	_ =	shalt  }
0x7b: {  	_ =	shalt  }
0x7c: {  	_ =	shalt  }
0x7d: {  	_ =	shalt  }
0x7e: {  	_ =	shalt  }
0x7f: {  	_ =	shalt  }
0x80: {  	_ =	shalt  }
0x81: {  	_ =	shalt  }
0x82: {  	_ =	shalt  }
0x83: {  	_ =	shalt  }
0x84: {  	_ =	shalt  }
0x85: {  	_ =	shalt  }
0x86: {  	_ =	shalt  }
0x87: {  	_ =	shalt  }
.Lfunc_end0:
.L_simem_size_0:
called_computation_lowered:
.L_overlay_start_0:
0x88: {  	s2 =	sld [smem:$0x3FD9]  }
0x89: {  	s3 =	sld [smem:$0x3FFE];
	_ =	sdelay $0x1  }
0x8a: {  	s1 =	srdreg.scid  }
0x8b: {  	s0 =	sand.u32 $0x1, s1  }
0x8c: {  	s17 =	sshll.u32 s0, $0xA;
	s2 =	sadd.s32 s3, s2  }
0x8d: {  	s2 =	sadd.s32 s2, s17  }
0x8e: {  	[smem:$0x3FC7] =	sst s2  }
0x8f: {  	_ = 	snop  }
0x90: {  	s2 =	sld [smem:$0x3FD0];
	(tm) =	ssettm $0x1  }
0x91: {  	s18 =	sld [smem:$0x3FFB];
	_ =	sdelay $0x3  }
0x92: {  	_ =	strace s18  }
0x93: {  	s3 =	sld [smem:$0x3FFC];
	_ =	sdelay $0x3  }
0x94: {  	_ =	strace s3  }
0x95: {  	s3 =	sld [smem:$0x3FFD];
	_ =	sdelay $0x3  }
0x96: {  	_ =	strace s3  }
0x97: {  	_ =	strace $0x8FFFFFFF  }
0x98: {  	s19 =	sld [smem:$0x3FDB];
	_ =	sdelay $0x1  }
0x99: {  	s4 =	simm.s32 $_scs_section_size  }
0x9a: {  	s5 =	simm.s32 $_size__tile_overlayer_lowered;
	s6 =	simm.s32 $_tile_overlayer_lowered  }
0x9b: {  	s22 =	simm.s32 $0x1BFF;
	s21 =	sshll.u32 s6, $0x1;
	s3 =	sadd.s32 s4, s19  }
0x9c: {  	s7 =	simm.s32 $0x0;
	s20 =	sshll.u32 s5, $0x1;
	s5 =	sadd.s32 s21, s3  }
0x9d: {  	[timem:s7], [sflag:s22] =	dma.local [hbm:s5], s20  }
0x9e: {  	_ =	swait.ge [sflag:s22], s20  }
0x9f: {  	s4 =	ssub.s32 $0x0, s20;
	[sflag:s22] =	ssyncset.done $0x0  }
0xa0: {  	[sflag:s22] =	ssyncadd.s32 s4;
	_ =	sdelay $0x1  }
0xa1: {  	s23 =	simm.s32 $0x1B8B  }
0xa2: {  	_ =	swait.ge [sflag:s23], $0x1  }
0xa3: {  	[sflag:s23] =	ssyncset.done $0x0  }
0xa4: {  	s25 =	simm.s32 $0x1B8E;
	s24 =	sld [smem:$0x3FFE];
	[sflag:s23] =	ssyncadd.s32 $0xFFFFFFFF  }
0xa5: {  	s26 =	simm.s32 $execute0_lowered;
	[smem:$0x3FD2] =	sst s25  }
0xa6: {  	s5 =	sshll.u32 s26, $0x1;
	_ =	strace $0x80000046;
	[dreg:$0x1] =	wrdreg $0xFFFFFFFF  }
0xa7: {  	s28 =	simm.s32 $_size_execute0_lowered;
	s3 =	sadd.s32 s3, s5;
	[dreg:$0x0] =	wrdreg $0x0  }
0xa8: {  	s5 =	sshll.u32 s28, $0x1;
	[dreg:$0x2] =	wrdreg s3  }
0xa9: {  	[dreg:$0x3] =	wrdreg s5  }
0xaa: {  	[dreg:$0x4] =	wrdreg $0xC0  }
0xab: {  	_ =	task [dreg:s7], $0x5FFFF  }
0xac: {  	[dreg:$0x1] =	wrdreg $0xFFFFFFFF  }
0xad: {  	[dreg:$0x0] =	wrdreg $0x60  }
0xae: {  	[dreg:$0x2] =	wrdreg s24  }
0xaf: {  	[dreg:$0x3] =	wrdreg s2  }
0xb0: {  	[dreg:$0x4] =	wrdreg $0x9  }
0xb1: {  	_ =	task.clear_ibuf [dreg:s7], $0x5FFFF;
	_ =	strace $0x90000046  }
0xb2: {  	s29 =	simm.s32 $0x9;
	_ =	strace $0x80000048  }
0xb3: {  	_ =	swait.ge [sflag:s29], $0x1  }
0xb4: {  	[sflag:s29] =	ssyncadd.s32 $0xFFFFFFFF  }
0xb5: {  	_ =	strace $0x90000048  }
0xb6: {  	_ =	sfence  }
0xb7: {  	s30 =	sld [smem:$0x0];
	_ =	sdelay $0x2  }
0xb8: {  	s31 =	sshll.u32 s1, $0xD;
	s1 =	sshrl.u32 s1, $0x2  }
0xb9: {  	s3 =	sand.u32 $0x4000, s31;
	s1 =	sadd.s32 s1, s30  }
0xba: {  	s0 =	sor.u32 s3, s0;
	s1 =	sshll.u32 s1, $0x11  }
0xbb: {  	s0 =	sor.u32 s1, s0  }
0xbc: {  	s0 =	sadd.s32 $0x8F2B, s0  }
0xbd: {  	[sflag:s0] =	ssyncadd.remote.s32 $0x1  }
0xbe: {  	_ =	sfence.sel $0xFFFF  }
0xbf: {  	[dreg:$0x0] =	wrdreg $0xFFFFFFFF;
	(pc) =	sbr.abs _section_cstart, $3  }
0xc0: {  	[dreg:$0x1] =	wrdreg $0xFFFFFFFF  }
0xc1: {  	_ =	task.clear_ibuf [dreg:s7], $0x2FFFF;
	_ =	strace $0x9FFFFFFF  }
0xc2: {  	(tm) =	ssettm $0x7FFFFFFF  }
0xc3: {  	_ =	shalt  }
tec
execute0_lowered:
.L_overlay_start_1:
0x0: {  	(tag) =	ssettag $0x1  }
0x1: {  	s3 =	rddreg [dreg:$0x0]  }
0x2: {  	s4 =	rddreg [dreg:$0x1]  }
0x3: {  	s0 =	rddreg [dreg:$0x2];
	s5 =	srdreg.scid  }
0x4: {  	s1 =	stileid.u32;
	s2 =	simm.s32 $0x0;
	s9 =	simm.s32 $0x400  }
0x5: {  	s5 =	sand.u32 $0x1, s5;
	s6 =	sshll.u32 s1, $0x1;
	[smem:$0x7FF] =	sst s2  }
0x6: {  	s8 =	sshll.u32 s1, $0xC;
	s6 =	sor.u32 s5, s6;
	_ =	strace $0x80000047  }
0x7: {  	s5 =	ssub.s32 $0x2, s5;
	s31 =	sand.u32 $0xC000, s8;
	s8 =	simm.s32 $0x80  }
0x8: {  	s7 =	sshll.u32 s6, $0xC;
	s30 =	sshrl.u32 s5, $0x1;
	s6 =	sshll.u32 s6, $0x4  }
0x9: {  	s4 =	sadd.s32 s4, s31;
	s3 =	sadd.s32 s7, s3;
	s5 =	ssub.s32 s5, s30  }
0xa: {  	s6 =	sand.u32 $0x70, s6;
	s7 =	simm.s32 $0x8000;
	s3 =	sadd.s32 $0x1E00, s3  }
0xb: {  	v0 =	vimm.s32 $0x0;
	v1 =	vlaneseq.u32;
	v2 =	vimm.s32 $0x1;
	s4 =	sadd.s32 s6, s4;
	s5 =	smax.u32 s5, $0x1;
	s6 =	simm.s32 $0x1  }
.LBB2_1:
0xc: {  	s10 =	simm.s32 $0x0;
	s11 =	simm.s32 $0x200  }
.LBB2_2:
0xd: {  	p0 =	sne.s32 s11, $0xFE00;
	[tilespmem:s10+$0x8070] =	vst v0  }
0xe: {  	[tilespmem:s10+$0x8000] =	vst v0  }
0xf: {  	[tilespmem:s10+$0x8010] =	vst v0  }
.Ltmp0:
0x10: {  	[tilespmem:s10+$0x8020] =	vst v0;
	(pc) =	sbr.rel @p0 .LBB2_2-.Ltmp0, $4  }
0x11: {  	[tilespmem:s10+$0x8030] =	vst v0  }
0x12: {  	[tilespmem:s10+$0x8040] =	vst v0  }
0x13: {  	[tilespmem:s10+$0x8050] =	vst v0  }
0x14: {  	[tilespmem:s10+$0x8060] =	vst v0;
	s10 =	sshra.s32 s11, $0x2;
	s11 =	sadd.s32 $0x200, s11  }
0x15: {  	[tilespmem:s10+$0x8070] =	vst v0  }
0x16: {  	[tilespmem:s10+$0x8000] =	vst v0  }
0x17: {  	[tilespmem:s10+$0x8010] =	vst v0  }
0x18: {  	[tilespmem:s10+$0x8020] =	vst v0  }
0x19: {  	[tilespmem:s10+$0x8030] =	vst v0  }
0x1a: {  	[tilespmem:s10+$0x8040] =	vst v0  }
0x1b: {  	[tilespmem:s10+$0x8050] =	vst v0  }
0x1c: {  	[tilespmem:s10+$0x8060] =	vst v0;
	s10 =	simm.s32 $0x0  }
0x1d: {  	[tilespmem:s10], [sflag:$0x1] =	stream.linear.gather [hbm4b:s3+s10], $0x8000, $0x38;
	[tilespmem:$0xC000] =	vst v63  }
0x1e: {  	_ =	swait.ge [sflag:s6], $0x8000  }
0x1f: {  	[sflag:s6] =	ssyncset.done $0x0  }
0x20: {  	[sflag:s6] =	ssyncadd.s32 $0xFFFF8000  }
.LBB2_4:
0x21: {  	s11 =	sshra.s32 s10, $0x2  }
0x22: {  	v3 =	vld [tilespmem:s11+$0x0];
	_ =	sdelay $0x4  }
0x23: {  	v3 =	vshrl.u32 v3, $0x10  }
0x24: {  	v3 =	vand.u32 $0x3FF0, v3  }
0x25: {  	v3 =	vor.u32 v1, v3;
	_ =	sdelay $0x4  }
0x26: {  	[tilespmem:v3+s7+$0x0] =	vst.idx.add.s32.msk $0xffff, v2  }
0x27: {  	v3 =	vld [tilespmem:s11+$0x10];
	_ =	sdelay $0x4  }
0x28: {  	v3 =	vshrl.u32 v3, $0x10  }
0x29: {  	v3 =	vand.u32 $0x3FF0, v3  }
0x2a: {  	v3 =	vor.u32 v1, v3;
	_ =	sdelay $0x4  }
0x2b: {  	[tilespmem:v3+s7+$0x0] =	vst.idx.add.s32.msk $0xffff, v2  }
0x2c: {  	v3 =	vld [tilespmem:s11+$0x20];
	_ =	sdelay $0x4  }
0x2d: {  	v3 =	vshrl.u32 v3, $0x10  }
0x2e: {  	v3 =	vand.u32 $0x3FF0, v3  }
0x2f: {  	v3 =	vor.u32 v1, v3;
	_ =	sdelay $0x4  }
0x30: {  	[tilespmem:v3+s7+$0x0] =	vst.idx.add.s32.msk $0xffff, v2  }
0x31: {  	v3 =	vld [tilespmem:s11+$0x30];
	_ =	sdelay $0x4  }
0x32: {  	v3 =	vshrl.u32 v3, $0x10  }
0x33: {  	v3 =	vand.u32 $0x3FF0, v3  }
0x34: {  	p0 =	sne.s32 s10, $0x1FF00;
	v3 =	vor.u32 v1, v3  }
.Ltmp1:
0x35: {  	_ = 	snop;
	(pc) =	sbr.rel @p0 .LBB2_4-.Ltmp1, $2  }
0x36: {  	_ =	sdelay $0x2  }
0x37: {  	s10 =	sadd.s32 $0x100, s10;
	[tilespmem:v3+s7+$0x0] =	vst.idx.add.s32.msk $0xffff, v2  }
0x38: {  	s2 =	sadd.s32 $0x1, s2  }
0x39: {  	p0 =	sne.s32 s2, s5  }
.Ltmp2:
0x3a: {  	_ = 	snop;
	(pc) =	sbr.rel @p0 .LBB2_1-.Ltmp2, $4  }
0x3b: {  	[hbm4b:s4+s8] =	stream.strided.scatter [tilespmem:s7], [sflag:$0x1], $0x4000, s9, s8, $0x38;
	[tilespmem:$0xC000] =	vst v63  }
0x3c: {  	_ =	swait.ge [sflag:s6], $0x4000  }
0x3d: {  	[sflag:s6] =	ssyncset.done $0x0  }
0x3e: {  	[sflag:s6] =	ssyncadd.s32 $0xFFFFC000  }
0x3f: {  	_ =	sfence.sel $0x180000  }
0x40: {  	[bflag:$0x0] =	sbarrier.arrive $0xFFFF  }
0x41: {  	p0 =	sne.s32 s1, $0x0;
	_ =	strace $0x90000047  }
0x42: {  	s0 =	sadd.s32 @!p0 $0x100000, s0;
	[bflag:$0x2] =	sbarrier.arrive $0xFFFF  }
0x43: {  	[sflag:s0] =	ssyncadd.tile.s32 @!p0 $0x1;
	_ =	shalt  }
.Lfunc_end2:
_tile_overlayer_lowered:
.L_overlay_start_2:
0x44: {  	(tag) =	ssettag $0x2  }
0x45: {  	s0 =	rddreg [dreg:$0x0];
	s2 =	stileid.u32  }
0x46: {  	s1 =	rddreg [dreg:$0x1];
	p0 =	sne.s32 s2, $0x0  }
0x47: {  	s3 =	rddreg [dreg:$0x2];
	[bflag:$0x3] =	sbarrier.arrive $0xFFFF;
	s2 =	simm.s32 @!p0 $0x1C01  }
0x48: {  	[timem:s3], [sflag:s2] =	dma.local @!p0 [hbm:s0], s1  }
0x49: {  	s0 =	simm.s32 @!p0 $0x1  }
0x4a: {  	_ =	swait.ge @!p0 [sflag:s0], s1  }
0x4b: {  	s1 =	ssub.s32 @!p0 $0x0, s1;
	[sflag:s0] =	ssyncset.done @!p0 $0x0  }
0x4c: {  	[sflag:s0] =	ssyncadd.s32 @!p0 s1  }
0x4d: {  	[bflag:$0x3] =	sbarrier.arrive $0xFFFF  }
0x4e: {  	_ =	shalt  }

// kernel: kernel.13.cloned.1.call-start
scs
__scs_entry_jumppad:
0x0: {  	(pc) =	sbr.rel $0x88, $3  }
0x1: {  	(tag) =	ssettag $0x0;
	lr =	simm.s32 $0x1  }
0x2: {  	[smem:$0x3FA0] =	sst lr;
	_ =	strace $0xD0000000  }
0x3: {  	_ = 	snop  }
0x4: {  	_ = 	snop  }
0x5: {  	_ = 	snop  }
0x6: {  	_ = 	snop  }
0x7: {  	_ = 	snop  }
__scs_overlays_trampoline_lowered:
0x8: {  	[smem:$0x3FAF] =	sst s0  }
0x9: {  	[smem:$0x3FB0] =	sst s1  }
0xa: {  	[smem:$0x3FB1] =	sst s2  }
0xb: {  	[smem:$0x3FB2] =	sst s3  }
0xc: {  	[smem:$0x3FB3] =	sst s4  }
0xd: {  	[smem:$0x3FB4] =	sst s5  }
0xe: {  	[smem:$0x3FB5] =	sst s6  }
0xf: {  	[smem:$0x3FB6] =	sst s7  }
0x10: {  	[smem:$0x3FB7] =	sst s8  }
0x11: {  	[smem:$0x3FB8] =	sst s9;
	s0 =	simm.s32 @!p0 $0x0  }
0x12: {  	s1 =	sld [smem:$0x3F9E];
	s0 =	simm.s32 @p0 $0x1  }
0x13: {  	[smem:$0x3FB9] =	sst s0;
	s0 =	simm.s32 @!p1 $0x0  }
0x14: {  	s2 =	sld [smem:$0x3F9D];
	s0 =	simm.s32 @p1 $0x1  }
0x15: {  	[smem:$0x3FBA] =	sst s0;
	s0 =	simm.s32 @!p2 $0x0  }
0x16: {  	s3 =	sld [smem:$0x3FDB];
	s0 =	simm.s32 @p2 $0x1  }
0x17: {  	s4 =	simm.s32 $0x1BF5;
	[smem:$0x3FBC] =	sst s0  }
0x18: {  	s0 =	sld [smem:$0x3F9F];
	_ =	swait.ge [sflag:s4], $0x0  }
0x19: {  	s7 =	sld [smem:$0x3FA0]  }
0x1a: {  	s8 =	sadd.s32 $0xFFFFE003, lr  }
0x1b: {  	s9 =	sadd.s32 $0xFFFFFEF7, lr;
	s5 =	simm.s32 $0xFFFFFFFF;
	p2 =	slt.u32 s8, $0xFFFFF086  }
0x1c: {  	p1 =	slt.u32 s9, $0xF7A;
	s5 =	simm.s32 @!p2 $0x0  }
0x1d: {  	s5 =	simm.s32 @p1 $0x1;
	p0 =	seq.s32 s7, s2  }
0x1e: {  	s7 =	smul.u32 @!p0 $0xF7A, s2;
	p2 =	seq.s32 @!p0 s5, $0x0  }
0x1f: {  	s9 =	smul.u32 $0xF7A, s1;
	s8 =	simm.s32 @!p0 $0x1BF5;
	p2 =	por !p2, p0  }
0x20: {  	[sflag:s8] =	ssyncset.s32 @!p0 $0xFFFFF086;
	s6 =	sadd.s32 @!p0 s3, s7;
	s7 =	simm.s32 @!p0 $0x108  }
0x21: {  	s3 =	sadd.s32 s3, s9;
	s6 =	sadd.s32 @!p0 $0x88, s6;
	s7 =	simm.s32 @p2 $0x1082  }
0x22: {  	[simem:s7], [sflag:s8] =	dma.local @!p0 [hbm:s6], $0xF7A  }
0x23: {  	s9 =	sor.u32 $0xD0000000, s2;
	s6 =	simm.s32 $0x108;
	_ =	swait.ge @!p0 [sflag:s8], $0x0  }
0x24: {  	s3 =	sadd.s32 $0x88, s3;
	s6 =	simm.s32 @!p1 $0x1082;
	[sflag:s4] =	ssyncset.s32 $0xFFFFF086  }
0x25: {  	[simem:s6], [sflag:s4] =	dma.local [hbm:s3], $0xF7A  }
0x26: {  	[smem:$0x3FA0] =	sst s1;
	(tag) =	ssettag s2;
	_ =	strace s9  }
0x27: {  	s1 =	sld [smem:$0x3FB0]  }
0x28: {  	s2 =	sld [smem:$0x3FB1]  }
0x29: {  	s4 =	sld [smem:$0x3FB3]  }
0x2a: {  	p0 =	seq.s32 s5, $0x0;
	s5 =	sld [smem:$0x3FB4]  }
0x2b: {  	s6 =	sld [smem:$0x3FB5]  }
0x2c: {  	s7 =	sld [smem:$0x3FB6]  }
0x2d: {  	s3 =	simm.s32 $0x108;
	s8 =	sld [smem:$0x3FB7]  }
0x2e: {  	s3 =	simm.s32 @!p0 $0x1082;
	s9 =	sld [smem:$0x3FB8]  }
0x2f: {  	lr =	sadd.s32 s0, s3;
	s0 =	sld [smem:$0x3FAF]  }
0x30: {  	s3 =	sld [smem:$0x3FB2]  }
0x31: {  	[smem:$0x3FBB] =	sst s10  }
0x32: {  	s10 =	sld [smem:$0x3FB9];
	_ =	sdelay $0x3  }
0x33: {  	p0 =	seq.s32 s10, $0x1;
	s10 =	sld [smem:$0x3FBB];
	_ =	sdelay $0x3  }
0x34: {  	[smem:$0x3FBB] =	sst s10  }
0x35: {  	s10 =	sld [smem:$0x3FBA];
	_ =	sdelay $0x3  }
0x36: {  	p1 =	seq.s32 s10, $0x1;
	s10 =	sld [smem:$0x3FBB];
	_ =	sdelay $0x3  }
0x37: {  	[smem:$0x3FBB] =	sst s10  }
0x38: {  	s10 =	sld [smem:$0x3FBC]  }
0x39: {  	_ = 	snop;
	(pc) =	sbr.ind lr, $3  }
0x3a: {  	_ = 	snop  }
0x3b: {  	_ = 	snop  }
0x3c: {  	p2 =	seq.s32 s10, $0x1;
	s10 =	sld [smem:$0x3FBB]  }
0x3d: {  	_ =	shalt  }
0x3e: {  	_ =	shalt  }
0x3f: {  	_ =	shalt  }
0x40: {  	_ =	shalt  }
0x41: {  	_ =	shalt  }
0x42: {  	_ =	shalt  }
0x43: {  	_ =	shalt  }
0x44: {  	_ =	shalt  }
0x45: {  	_ =	shalt  }
0x46: {  	_ =	shalt  }
0x47: {  	_ =	shalt  }
0x48: {  	_ =	shalt  }
0x49: {  	_ =	shalt  }
0x4a: {  	_ =	shalt  }
0x4b: {  	_ =	shalt  }
0x4c: {  	_ =	shalt  }
0x4d: {  	_ =	shalt  }
0x4e: {  	_ =	shalt  }
0x4f: {  	_ =	shalt  }
0x50: {  	_ =	shalt  }
0x51: {  	_ =	shalt  }
0x52: {  	_ =	shalt  }
0x53: {  	_ =	shalt  }
0x54: {  	_ =	shalt  }
0x55: {  	_ =	shalt  }
0x56: {  	_ =	shalt  }
0x57: {  	_ =	shalt  }
0x58: {  	_ =	shalt  }
0x59: {  	_ =	shalt  }
0x5a: {  	_ =	shalt  }
0x5b: {  	_ =	shalt  }
0x5c: {  	_ =	shalt  }
0x5d: {  	_ =	shalt  }
0x5e: {  	_ =	shalt  }
0x5f: {  	_ =	shalt  }
0x60: {  	_ =	shalt  }
0x61: {  	_ =	shalt  }
0x62: {  	_ =	shalt  }
0x63: {  	_ =	shalt  }
0x64: {  	_ =	shalt  }
0x65: {  	_ =	shalt  }
0x66: {  	_ =	shalt  }
0x67: {  	_ =	shalt  }
0x68: {  	_ =	shalt  }
0x69: {  	_ =	shalt  }
0x6a: {  	_ =	shalt  }
0x6b: {  	_ =	shalt  }
0x6c: {  	_ =	shalt  }
0x6d: {  	_ =	shalt  }
0x6e: {  	_ =	shalt  }
0x6f: {  	_ =	shalt  }
0x70: {  	_ =	shalt  }
0x71: {  	_ =	shalt  }
0x72: {  	_ =	shalt  }
0x73: {  	_ =	shalt  }
0x74: {  	_ =	shalt  }
0x75: {  	_ =	shalt  }
0x76: {  	_ =	shalt  }
0x77: {  	_ =	shalt  }
0x78: {  	_ =	shalt  }
0x79: {  	_ =	shalt  }
0x7a: {  	_ =	shalt  }
0x7b: {  	_ =	shalt  }
0x7c: {  	_ =	shalt  }
0x7d: {  	_ =	shalt  }
0x7e: {  	_ =	shalt  }
0x7f: {  	_ =	shalt  }
0x80: {  	_ =	shalt  }
0x81: {  	_ =	shalt  }
0x82: {  	_ =	shalt  }
0x83: {  	_ =	shalt  }
0x84: {  	_ =	shalt  }
0x85: {  	_ =	shalt  }
0x86: {  	_ =	shalt  }
0x87: {  	_ =	shalt  }
.Lfunc_end0:
.L_simem_size_0:
called_computation.1_lowered:
.L_overlay_start_0:
0x88: {  	s2 =	sld [smem:$0x3FD9]  }
0x89: {  	s3 =	sld [smem:$0x3FFE];
	_ =	sdelay $0x1  }
0x8a: {  	s1 =	srdreg.scid  }
0x8b: {  	s0 =	sand.u32 $0x1, s1  }
0x8c: {  	s17 =	sshll.u32 s0, $0xA;
	s2 =	sadd.s32 s3, s2  }
0x8d: {  	s2 =	sadd.s32 s2, s17  }
0x8e: {  	[smem:$0x3FC7] =	sst s2  }
0x8f: {  	_ = 	snop  }
0x90: {  	s2 =	sld [smem:$0x3FD0];
	(tm) =	ssettm $0x1  }
0x91: {  	s18 =	sld [smem:$0x3FFB];
	_ =	sdelay $0x3  }
0x92: {  	_ =	strace s18  }
0x93: {  	s3 =	sld [smem:$0x3FFC];
	_ =	sdelay $0x3  }
0x94: {  	_ =	strace s3  }
0x95: {  	s3 =	sld [smem:$0x3FFD];
	_ =	sdelay $0x3  }
0x96: {  	_ =	strace s3  }
0x97: {  	_ =	strace $0x8FFFFFFF  }
0x98: {  	s19 =	sld [smem:$0x3FDB];
	_ =	sdelay $0x1  }
0x99: {  	s4 =	simm.s32 $_scs_section_size  }
0x9a: {  	s5 =	simm.s32 $_size__tile_overlayer_lowered;
	s6 =	simm.s32 $_tile_overlayer_lowered  }
0x9b: {  	s22 =	simm.s32 $0x1BFF;
	s21 =	sshll.u32 s6, $0x1;
	s3 =	sadd.s32 s4, s19  }
0x9c: {  	s7 =	simm.s32 $0x0;
	s20 =	sshll.u32 s5, $0x1;
	s5 =	sadd.s32 s21, s3  }
0x9d: {  	[timem:s7], [sflag:s22] =	dma.local [hbm:s5], s20  }
0x9e: {  	_ =	swait.ge [sflag:s22], s20  }
0x9f: {  	s4 =	ssub.s32 $0x0, s20;
	[sflag:s22] =	ssyncset.done $0x0  }
0xa0: {  	[sflag:s22] =	ssyncadd.s32 s4;
	_ =	sdelay $0x1  }
0xa1: {  	s23 =	simm.s32 $0x1B8B  }
0xa2: {  	_ =	swait.ge [sflag:s23], $0x1  }
0xa3: {  	[sflag:s23] =	ssyncset.done $0x0  }
0xa4: {  	s25 =	simm.s32 $0x1B8E;
	s24 =	sld [smem:$0x3FFE];
	[sflag:s23] =	ssyncadd.s32 $0xFFFFFFFF  }
0xa5: {  	s26 =	simm.s32 $execute0_lowered;
	[smem:$0x3FD2] =	sst s25  }
0xa6: {  	s5 =	sshll.u32 s26, $0x1;
	_ =	strace $0x80000049;
	[dreg:$0x1] =	wrdreg $0xFFFFFFFF  }
0xa7: {  	s28 =	simm.s32 $_size_execute0_lowered;
	s3 =	sadd.s32 s3, s5;
	[dreg:$0x0] =	wrdreg $0x0  }
0xa8: {  	s5 =	sshll.u32 s28, $0x1;
	[dreg:$0x2] =	wrdreg s3  }
0xa9: {  	[dreg:$0x3] =	wrdreg s5  }
0xaa: {  	[dreg:$0x4] =	wrdreg $0xC0  }
0xab: {  	_ =	task [dreg:s7], $0x5FFFF  }
0xac: {  	[dreg:$0x1] =	wrdreg $0xFFFFFFFF  }
0xad: {  	[dreg:$0x0] =	wrdreg $0x60  }
0xae: {  	[dreg:$0x2] =	wrdreg s24  }
0xaf: {  	[dreg:$0x3] =	wrdreg s2  }
0xb0: {  	[dreg:$0x4] =	wrdreg $0x9  }
0xb1: {  	_ =	task.clear_ibuf [dreg:s7], $0x5FFFF;
	_ =	strace $0x90000049  }
0xb2: {  	s29 =	simm.s32 $0x9;
	_ =	strace $0x8000004B  }
0xb3: {  	_ =	swait.ge [sflag:s29], $0x1  }
0xb4: {  	[sflag:s29] =	ssyncadd.s32 $0xFFFFFFFF  }
0xb5: {  	_ =	strace $0x9000004B  }
0xb6: {  	_ =	sfence  }
0xb7: {  	s30 =	sld [smem:$0x0];
	_ =	sdelay $0x2  }
0xb8: {  	s31 =	sshll.u32 s1, $0xD;
	s1 =	sshrl.u32 s1, $0x2  }
0xb9: {  	s3 =	sand.u32 $0x4000, s31;
	s1 =	sadd.s32 s1, s30  }
0xba: {  	s0 =	sor.u32 s3, s0;
	s1 =	sshll.u32 s1, $0x11  }
0xbb: {  	s0 =	sor.u32 s1, s0  }
0xbc: {  	s0 =	sadd.s32 $0x8F2B, s0  }
0xbd: {  	[sflag:s0] =	ssyncadd.remote.s32 $0x1  }
0xbe: {  	_ =	sfence.sel $0xFFFF  }
0xbf: {  	[dreg:$0x0] =	wrdreg $0xFFFFFFFF;
	(pc) =	sbr.abs _section_cstart, $3  }
0xc0: {  	[dreg:$0x1] =	wrdreg $0xFFFFFFFF  }
0xc1: {  	_ =	task.clear_ibuf [dreg:s7], $0x2FFFF;
	_ =	strace $0x9FFFFFFF  }
0xc2: {  	(tm) =	ssettm $0x7FFFFFFF  }
0xc3: {  	_ =	shalt  }
tec
execute0_lowered:
.L_overlay_start_1:
0x0: {  	(tag) =	ssettag $0x1  }
0x1: {  	s3 =	rddreg [dreg:$0x0]  }
0x2: {  	s4 =	rddreg [dreg:$0x1]  }
0x3: {  	s0 =	rddreg [dreg:$0x2]  }
0x4: {  	s5 =	srdreg.scid;
	s1 =	stileid.u32;
	s2 =	simm.s32 $0x0  }
0x5: {  	s10 =	simm.s32 $0x80;
	s11 =	simm.s32 $0x400;
	s5 =	sand.u32 $0x1, s5  }
0x6: {  	s6 =	sshll.u32 s1, $0x1;
	[smem:$0x7FF] =	sst s2;
	s8 =	sshll.u32 s1, $0xC  }
0x7: {  	s6 =	sor.u32 s5, s6;
	_ =	strace $0x8000004A;
	s5 =	ssub.s32 $0x2, s5  }
0x8: {  	s8 =	sand.u32 $0xC000, s8;
	s7 =	sshll.u32 s6, $0xC;
	s6 =	sshll.u32 s6, $0x4  }
0x9: {  	s9 =	sshrl.u32 s5, $0x1;
	s8 =	sadd.s32 s4, s8;
	s7 =	sadd.s32 s7, s3  }
0xa: {  	s3 =	sadd.s32 $0x21E00, s3;
	s6 =	sand.u32 $0x70, s6;
	s9 =	ssub.s32 s5, s9  }
0xb: {  	s4 =	sadd.s32 $0x1E00, s7;
	s5 =	sadd.s32 s6, s8;
	s6 =	smax.u32 s9, $0x1  }
0xc: {  	v0 =	vimm.s32 $0x0;
	v1 =	vlaneseq.u32;
	v2 =	vimm.s32 $0x1;
	s7 =	simm.s32 $0xC000;
	s8 =	simm.s32 $0x1;
	s9 =	simm.s32 $0x8000  }
.LBB2_1:
0xd: {  	s12 =	simm.s32 $0x0;
	s13 =	simm.s32 $0x200  }
.LBB2_2:
0xe: {  	p0 =	sne.s32 s13, $0xFE00;
	[tilespmem:s12+$0x8070] =	vst v0  }
0xf: {  	[tilespmem:s12+$0x8000] =	vst v0  }
0x10: {  	[tilespmem:s12+$0x8010] =	vst v0  }
.Ltmp0:
0x11: {  	[tilespmem:s12+$0x8020] =	vst v0;
	(pc) =	sbr.rel @p0 .LBB2_2-.Ltmp0, $4  }
0x12: {  	[tilespmem:s12+$0x8030] =	vst v0  }
0x13: {  	[tilespmem:s12+$0x8040] =	vst v0  }
0x14: {  	[tilespmem:s12+$0x8050] =	vst v0  }
0x15: {  	[tilespmem:s12+$0x8060] =	vst v0;
	s12 =	sshra.s32 s13, $0x2;
	s13 =	sadd.s32 $0x200, s13  }
0x16: {  	[tilespmem:s12+$0x8070] =	vst v0  }
0x17: {  	[tilespmem:s12+$0x8000] =	vst v0  }
0x18: {  	[tilespmem:s12+$0x8010] =	vst v0  }
0x19: {  	[tilespmem:s12+$0x8020] =	vst v0  }
0x1a: {  	[tilespmem:s12+$0x8030] =	vst v0  }
0x1b: {  	[tilespmem:s12+$0x8040] =	vst v0  }
0x1c: {  	[tilespmem:s12+$0x8050] =	vst v0  }
0x1d: {  	[tilespmem:s12+$0x8060] =	vst v0;
	s12 =	simm.s32 $0x0  }
0x1e: {  	[tilespmem:s7], [sflag:$0x1] =	stream.linear.gather [hbm4b:s3+s12], $0x80, $0x38;
	[tilespmem:$0xC080] =	vst v63  }
0x1f: {  	_ =	swait.ge [sflag:s8], $0x80  }
0x20: {  	[sflag:s8] =	ssyncset.done $0x0  }
0x21: {  	[sflag:s8] =	ssyncadd.s32 $0xFFFFFF80  }
0x22: {  	v3 =	vld [tilespmem:$0xC000];
	[tilespmem:s12], [sflag:$0x1] =	stream.linear.gather [hbm4b:s4+s12], $0x8000, $0x38  }
0x23: {  	_ =	swait.ge [sflag:s8], $0x8000  }
0x24: {  	[sflag:s8] =	ssyncset.done $0x0  }
0x25: {  	[sflag:s8] =	ssyncadd.s32 $0xFFFF8000  }
.LBB2_4:
0x26: {  	s13 =	sshra.s32 s12, $0x2  }
0x27: {  	v4 =	vld [tilespmem:s13+$0x0];
	_ =	sdelay $0x4  }
0x28: {  	v5 =	vshrl.u32 v4, $0x6;
	v4 =	vshra.s32 v4, $0x14  }
0x29: {  	vm0 =	veq.s32 v4, v3;
	v4 =	vand.u32 $0x3FF0, v5  }
0x2a: {  	v4 =	vor.u32 v1, v4;
	_ =	sdelay $0x4  }
0x2b: {  	[tilespmem:v4+s9+$0x0] =	vst.idx.add.s32.msk vm0, v2  }
0x2c: {  	v4 =	vld [tilespmem:s13+$0x10];
	_ =	sdelay $0x4  }
0x2d: {  	v5 =	vshrl.u32 v4, $0x6;
	v4 =	vshra.s32 v4, $0x14  }
0x2e: {  	vm13 =	veq.s32 v4, v3;
	v4 =	vand.u32 $0x3FF0, v5  }
0x2f: {  	v4 =	vor.u32 v1, v4;
	_ =	sdelay $0x4  }
0x30: {  	[tilespmem:v4+s9+$0x0] =	vst.idx.add.s32.msk vm13, v2  }
0x31: {  	v4 =	vld [tilespmem:s13+$0x20];
	_ =	sdelay $0x4  }
0x32: {  	v5 =	vshrl.u32 v4, $0x6;
	v4 =	vshra.s32 v4, $0x14  }
0x33: {  	vm14 =	veq.s32 v4, v3;
	v4 =	vand.u32 $0x3FF0, v5  }
0x34: {  	v4 =	vor.u32 v1, v4;
	_ =	sdelay $0x4  }
0x35: {  	[tilespmem:v4+s9+$0x0] =	vst.idx.add.s32.msk vm14, v2  }
0x36: {  	v4 =	vld [tilespmem:s13+$0x30];
	_ =	sdelay $0x4  }
0x37: {  	v5 =	vshrl.u32 v4, $0x6;
	v4 =	vshra.s32 v4, $0x14  }
0x38: {  	vm15 =	veq.s32 v4, v3;
	v4 =	vand.u32 $0x3FF0, v5  }
0x39: {  	p0 =	sne.s32 s12, $0x1FF00;
	v4 =	vor.u32 v1, v4  }
.Ltmp1:
0x3a: {  	_ = 	snop;
	(pc) =	sbr.rel @p0 .LBB2_4-.Ltmp1, $2  }
0x3b: {  	_ =	sdelay $0x2  }
0x3c: {  	s12 =	sadd.s32 $0x100, s12;
	[tilespmem:v4+s9+$0x0] =	vst.idx.add.s32.msk vm15, v2  }
0x3d: {  	s2 =	sadd.s32 $0x1, s2  }
0x3e: {  	p0 =	sne.s32 s2, s6  }
.Ltmp2:
0x3f: {  	_ = 	snop;
	(pc) =	sbr.rel @p0 .LBB2_1-.Ltmp2, $4  }
0x40: {  	[hbm4b:s5+s10] =	stream.strided.scatter [tilespmem:s9], [sflag:$0x1], $0x4000, s11, s10, $0x38;
	[tilespmem:$0xC080] =	vst v63  }
0x41: {  	_ =	swait.ge [sflag:s8], $0x4000  }
0x42: {  	[sflag:s8] =	ssyncset.done $0x0  }
0x43: {  	[sflag:s8] =	ssyncadd.s32 $0xFFFFC000  }
0x44: {  	_ =	sfence.sel $0x180000  }
0x45: {  	[bflag:$0x0] =	sbarrier.arrive $0xFFFF  }
0x46: {  	p0 =	sne.s32 s1, $0x0;
	_ =	strace $0x9000004A  }
0x47: {  	s0 =	sadd.s32 @!p0 $0x100000, s0;
	[bflag:$0x2] =	sbarrier.arrive $0xFFFF  }
0x48: {  	[sflag:s0] =	ssyncadd.tile.s32 @!p0 $0x1;
	_ =	shalt  }
.Lfunc_end2:
_tile_overlayer_lowered:
.L_overlay_start_2:
0x49: {  	(tag) =	ssettag $0x2  }
0x4a: {  	s0 =	rddreg [dreg:$0x0];
	s2 =	stileid.u32  }
0x4b: {  	s1 =	rddreg [dreg:$0x1];
	p0 =	sne.s32 s2, $0x0  }
0x4c: {  	s3 =	rddreg [dreg:$0x2];
	[bflag:$0x3] =	sbarrier.arrive $0xFFFF;
	s2 =	simm.s32 @!p0 $0x1C01  }
0x4d: {  	[timem:s3], [sflag:s2] =	dma.local @!p0 [hbm:s0], s1  }
0x4e: {  	s0 =	simm.s32 @!p0 $0x1  }
0x4f: {  	_ =	swait.ge @!p0 [sflag:s0], s1  }
0x50: {  	s1 =	ssub.s32 @!p0 $0x0, s1;
	[sflag:s0] =	ssyncset.done @!p0 $0x0  }
0x51: {  	[sflag:s0] =	ssyncadd.s32 @!p0 s1  }
0x52: {  	[bflag:$0x3] =	sbarrier.arrive $0xFFFF  }
0x53: {  	_ =	shalt  }

// kernel: kernel.16.cloned.1.call-start
scs
__scs_entry_jumppad:
0x0: {  	(pc) =	sbr.rel $0x88, $3  }
0x1: {  	(tag) =	ssettag $0x0;
	lr =	simm.s32 $0x1  }
0x2: {  	[smem:$0x3FA0] =	sst lr;
	_ =	strace $0xD0000000  }
0x3: {  	_ = 	snop  }
0x4: {  	_ = 	snop  }
0x5: {  	_ = 	snop  }
0x6: {  	_ = 	snop  }
0x7: {  	_ = 	snop  }
__scs_overlays_trampoline_lowered:
0x8: {  	[smem:$0x3FAF] =	sst s0  }
0x9: {  	[smem:$0x3FB0] =	sst s1  }
0xa: {  	[smem:$0x3FB1] =	sst s2  }
0xb: {  	[smem:$0x3FB2] =	sst s3  }
0xc: {  	[smem:$0x3FB3] =	sst s4  }
0xd: {  	[smem:$0x3FB4] =	sst s5  }
0xe: {  	[smem:$0x3FB5] =	sst s6  }
0xf: {  	[smem:$0x3FB6] =	sst s7  }
0x10: {  	[smem:$0x3FB7] =	sst s8  }
0x11: {  	[smem:$0x3FB8] =	sst s9;
	s0 =	simm.s32 @!p0 $0x0  }
0x12: {  	s1 =	sld [smem:$0x3F9E];
	s0 =	simm.s32 @p0 $0x1  }
0x13: {  	[smem:$0x3FB9] =	sst s0;
	s0 =	simm.s32 @!p1 $0x0  }
0x14: {  	s2 =	sld [smem:$0x3F9D];
	s0 =	simm.s32 @p1 $0x1  }
0x15: {  	[smem:$0x3FBA] =	sst s0;
	s0 =	simm.s32 @!p2 $0x0  }
0x16: {  	s3 =	sld [smem:$0x3FDB];
	s0 =	simm.s32 @p2 $0x1  }
0x17: {  	s4 =	simm.s32 $0x1BF5;
	[smem:$0x3FBC] =	sst s0  }
0x18: {  	s0 =	sld [smem:$0x3F9F];
	_ =	swait.ge [sflag:s4], $0x0  }
0x19: {  	s7 =	sld [smem:$0x3FA0]  }
0x1a: {  	s8 =	sadd.s32 $0xFFFFE003, lr  }
0x1b: {  	s9 =	sadd.s32 $0xFFFFFEF7, lr;
	s5 =	simm.s32 $0xFFFFFFFF;
	p2 =	slt.u32 s8, $0xFFFFF086  }
0x1c: {  	p1 =	slt.u32 s9, $0xF7A;
	s5 =	simm.s32 @!p2 $0x0  }
0x1d: {  	s5 =	simm.s32 @p1 $0x1;
	p0 =	seq.s32 s7, s2  }
0x1e: {  	s7 =	smul.u32 @!p0 $0xF7A, s2;
	p2 =	seq.s32 @!p0 s5, $0x0  }
0x1f: {  	s9 =	smul.u32 $0xF7A, s1;
	s8 =	simm.s32 @!p0 $0x1BF5;
	p2 =	por !p2, p0  }
0x20: {  	[sflag:s8] =	ssyncset.s32 @!p0 $0xFFFFF086;
	s6 =	sadd.s32 @!p0 s3, s7;
	s7 =	simm.s32 @!p0 $0x108  }
0x21: {  	s3 =	sadd.s32 s3, s9;
	s6 =	sadd.s32 @!p0 $0x88, s6;
	s7 =	simm.s32 @p2 $0x1082  }
0x22: {  	[simem:s7], [sflag:s8] =	dma.local @!p0 [hbm:s6], $0xF7A  }
0x23: {  	s9 =	sor.u32 $0xD0000000, s2;
	s6 =	simm.s32 $0x108;
	_ =	swait.ge @!p0 [sflag:s8], $0x0  }
0x24: {  	s3 =	sadd.s32 $0x88, s3;
	s6 =	simm.s32 @!p1 $0x1082;
	[sflag:s4] =	ssyncset.s32 $0xFFFFF086  }
0x25: {  	[simem:s6], [sflag:s4] =	dma.local [hbm:s3], $0xF7A  }
0x26: {  	[smem:$0x3FA0] =	sst s1;
	(tag) =	ssettag s2;
	_ =	strace s9  }
0x27: {  	s1 =	sld [smem:$0x3FB0]  }
0x28: {  	s2 =	sld [smem:$0x3FB1]  }
0x29: {  	s4 =	sld [smem:$0x3FB3]  }
0x2a: {  	p0 =	seq.s32 s5, $0x0;
	s5 =	sld [smem:$0x3FB4]  }
0x2b: {  	s6 =	sld [smem:$0x3FB5]  }
0x2c: {  	s7 =	sld [smem:$0x3FB6]  }
0x2d: {  	s3 =	simm.s32 $0x108;
	s8 =	sld [smem:$0x3FB7]  }
0x2e: {  	s3 =	simm.s32 @!p0 $0x1082;
	s9 =	sld [smem:$0x3FB8]  }
0x2f: {  	lr =	sadd.s32 s0, s3;
	s0 =	sld [smem:$0x3FAF]  }
0x30: {  	s3 =	sld [smem:$0x3FB2]  }
0x31: {  	[smem:$0x3FBB] =	sst s10  }
0x32: {  	s10 =	sld [smem:$0x3FB9];
	_ =	sdelay $0x3  }
0x33: {  	p0 =	seq.s32 s10, $0x1;
	s10 =	sld [smem:$0x3FBB];
	_ =	sdelay $0x3  }
0x34: {  	[smem:$0x3FBB] =	sst s10  }
0x35: {  	s10 =	sld [smem:$0x3FBA];
	_ =	sdelay $0x3  }
0x36: {  	p1 =	seq.s32 s10, $0x1;
	s10 =	sld [smem:$0x3FBB];
	_ =	sdelay $0x3  }
0x37: {  	[smem:$0x3FBB] =	sst s10  }
0x38: {  	s10 =	sld [smem:$0x3FBC]  }
0x39: {  	_ = 	snop;
	(pc) =	sbr.ind lr, $3  }
0x3a: {  	_ = 	snop  }
0x3b: {  	_ = 	snop  }
0x3c: {  	p2 =	seq.s32 s10, $0x1;
	s10 =	sld [smem:$0x3FBB]  }
0x3d: {  	_ =	shalt  }
0x3e: {  	_ =	shalt  }
0x3f: {  	_ =	shalt  }
0x40: {  	_ =	shalt  }
0x41: {  	_ =	shalt  }
0x42: {  	_ =	shalt  }
0x43: {  	_ =	shalt  }
0x44: {  	_ =	shalt  }
0x45: {  	_ =	shalt  }
0x46: {  	_ =	shalt  }
0x47: {  	_ =	shalt  }
0x48: {  	_ =	shalt  }
0x49: {  	_ =	shalt  }
0x4a: {  	_ =	shalt  }
0x4b: {  	_ =	shalt  }
0x4c: {  	_ =	shalt  }
0x4d: {  	_ =	shalt  }
0x4e: {  	_ =	shalt  }
0x4f: {  	_ =	shalt  }
0x50: {  	_ =	shalt  }
0x51: {  	_ =	shalt  }
0x52: {  	_ =	shalt  }
0x53: {  	_ =	shalt  }
0x54: {  	_ =	shalt  }
0x55: {  	_ =	shalt  }
0x56: {  	_ =	shalt  }
0x57: {  	_ =	shalt  }
0x58: {  	_ =	shalt  }
0x59: {  	_ =	shalt  }
0x5a: {  	_ =	shalt  }
0x5b: {  	_ =	shalt  }
0x5c: {  	_ =	shalt  }
0x5d: {  	_ =	shalt  }
0x5e: {  	_ =	shalt  }
0x5f: {  	_ =	shalt  }
0x60: {  	_ =	shalt  }
0x61: {  	_ =	shalt  }
0x62: {  	_ =	shalt  }
0x63: {  	_ =	shalt  }
0x64: {  	_ =	shalt  }
0x65: {  	_ =	shalt  }
0x66: {  	_ =	shalt  }
0x67: {  	_ =	shalt  }
0x68: {  	_ =	shalt  }
0x69: {  	_ =	shalt  }
0x6a: {  	_ =	shalt  }
0x6b: {  	_ =	shalt  }
0x6c: {  	_ =	shalt  }
0x6d: {  	_ =	shalt  }
0x6e: {  	_ =	shalt  }
0x6f: {  	_ =	shalt  }
0x70: {  	_ =	shalt  }
0x71: {  	_ =	shalt  }
0x72: {  	_ =	shalt  }
0x73: {  	_ =	shalt  }
0x74: {  	_ =	shalt  }
0x75: {  	_ =	shalt  }
0x76: {  	_ =	shalt  }
0x77: {  	_ =	shalt  }
0x78: {  	_ =	shalt  }
0x79: {  	_ =	shalt  }
0x7a: {  	_ =	shalt  }
0x7b: {  	_ =	shalt  }
0x7c: {  	_ =	shalt  }
0x7d: {  	_ =	shalt  }
0x7e: {  	_ =	shalt  }
0x7f: {  	_ =	shalt  }
0x80: {  	_ =	shalt  }
0x81: {  	_ =	shalt  }
0x82: {  	_ =	shalt  }
0x83: {  	_ =	shalt  }
0x84: {  	_ =	shalt  }
0x85: {  	_ =	shalt  }
0x86: {  	_ =	shalt  }
0x87: {  	_ =	shalt  }
.Lfunc_end0:
.L_simem_size_0:
called_computation.2_lowered:
.L_overlay_start_0:
0x88: {  	s2 =	sld [smem:$0x3FD9]  }
0x89: {  	s3 =	sld [smem:$0x3FFE];
	_ =	sdelay $0x1  }
0x8a: {  	s1 =	srdreg.scid  }
0x8b: {  	s0 =	sand.u32 $0x1, s1  }
0x8c: {  	s17 =	sshll.u32 s0, $0xA;
	s2 =	sadd.s32 s3, s2  }
0x8d: {  	s2 =	sadd.s32 s2, s17  }
0x8e: {  	[smem:$0x3FC7] =	sst s2  }
0x8f: {  	_ = 	snop  }
0x90: {  	s2 =	sld [smem:$0x3FD0];
	(tm) =	ssettm $0x1  }
0x91: {  	s18 =	sld [smem:$0x3FFB];
	_ =	sdelay $0x3  }
0x92: {  	_ =	strace s18  }
0x93: {  	s3 =	sld [smem:$0x3FFC];
	_ =	sdelay $0x3  }
0x94: {  	_ =	strace s3  }
0x95: {  	s3 =	sld [smem:$0x3FFD];
	_ =	sdelay $0x3  }
0x96: {  	_ =	strace s3  }
0x97: {  	_ =	strace $0x8FFFFFFF  }
0x98: {  	s19 =	sld [smem:$0x3FDB];
	_ =	sdelay $0x1  }
0x99: {  	s4 =	simm.s32 $_scs_section_size  }
0x9a: {  	s5 =	simm.s32 $_size__tile_overlayer_lowered;
	s6 =	simm.s32 $_tile_overlayer_lowered  }
0x9b: {  	s22 =	simm.s32 $0x1BFF;
	s21 =	sshll.u32 s6, $0x1;
	s3 =	sadd.s32 s4, s19  }
0x9c: {  	s7 =	simm.s32 $0x0;
	s20 =	sshll.u32 s5, $0x1;
	s5 =	sadd.s32 s21, s3  }
0x9d: {  	[timem:s7], [sflag:s22] =	dma.local [hbm:s5], s20  }
0x9e: {  	_ =	swait.ge [sflag:s22], s20  }
0x9f: {  	s4 =	ssub.s32 $0x0, s20;
	[sflag:s22] =	ssyncset.done $0x0  }
0xa0: {  	[sflag:s22] =	ssyncadd.s32 s4;
	_ =	sdelay $0x1  }
0xa1: {  	s23 =	simm.s32 $0x1B8B  }
0xa2: {  	_ =	swait.ge [sflag:s23], $0x1  }
0xa3: {  	[sflag:s23] =	ssyncset.done $0x0  }
0xa4: {  	s25 =	simm.s32 $0x1B8E;
	s24 =	sld [smem:$0x3FFE];
	[sflag:s23] =	ssyncadd.s32 $0xFFFFFFFF  }
0xa5: {  	s26 =	simm.s32 $execute0_lowered;
	[smem:$0x3FD2] =	sst s25  }
0xa6: {  	s5 =	sshll.u32 s26, $0x1;
	_ =	strace $0x8000004C;
	[dreg:$0x1] =	wrdreg $0xFFFFFFFF  }
0xa7: {  	s28 =	simm.s32 $_size_execute0_lowered;
	s3 =	sadd.s32 s3, s5;
	[dreg:$0x0] =	wrdreg $0x0  }
0xa8: {  	s5 =	sshll.u32 s28, $0x1;
	[dreg:$0x2] =	wrdreg s3  }
0xa9: {  	[dreg:$0x3] =	wrdreg s5  }
0xaa: {  	[dreg:$0x4] =	wrdreg $0xC0  }
0xab: {  	_ =	task [dreg:s7], $0x5FFFF  }
0xac: {  	[dreg:$0x1] =	wrdreg $0xFFFFFFFF  }
0xad: {  	[dreg:$0x0] =	wrdreg $0x60  }
0xae: {  	[dreg:$0x2] =	wrdreg s24  }
0xaf: {  	[dreg:$0x3] =	wrdreg s2  }
0xb0: {  	[dreg:$0x4] =	wrdreg $0x9  }
0xb1: {  	_ =	task.clear_ibuf [dreg:s7], $0x5FFFF;
	_ =	strace $0x9000004C  }
0xb2: {  	s29 =	simm.s32 $0x9;
	_ =	strace $0x8000004E  }
0xb3: {  	_ =	swait.ge [sflag:s29], $0x1  }
0xb4: {  	[sflag:s29] =	ssyncadd.s32 $0xFFFFFFFF  }
0xb5: {  	_ =	strace $0x9000004E  }
0xb6: {  	_ =	sfence  }
0xb7: {  	s30 =	sld [smem:$0x0];
	_ =	sdelay $0x2  }
0xb8: {  	s31 =	sshll.u32 s1, $0xD;
	s1 =	sshrl.u32 s1, $0x2  }
0xb9: {  	s3 =	sand.u32 $0x4000, s31;
	s1 =	sadd.s32 s1, s30  }
0xba: {  	s0 =	sor.u32 s3, s0;
	s1 =	sshll.u32 s1, $0x11  }
0xbb: {  	s0 =	sor.u32 s1, s0  }
0xbc: {  	s0 =	sadd.s32 $0x8F2B, s0  }
0xbd: {  	[sflag:s0] =	ssyncadd.remote.s32 $0x1  }
0xbe: {  	_ =	sfence.sel $0xFFFF  }
0xbf: {  	[dreg:$0x0] =	wrdreg $0xFFFFFFFF;
	(pc) =	sbr.abs _section_cstart, $3  }
0xc0: {  	[dreg:$0x1] =	wrdreg $0xFFFFFFFF  }
0xc1: {  	_ =	task.clear_ibuf [dreg:s7], $0x2FFFF;
	_ =	strace $0x9FFFFFFF  }
0xc2: {  	(tm) =	ssettm $0x7FFFFFFF  }
0xc3: {  	_ =	shalt  }
tec
execute0_lowered:
.L_overlay_start_1:
0x0: {  	(tag) =	ssettag $0x1  }
0x1: {  	s3 =	rddreg [dreg:$0x0]  }
0x2: {  	s4 =	rddreg [dreg:$0x1]  }
0x3: {  	s0 =	rddreg [dreg:$0x2]  }
0x4: {  	s5 =	srdreg.scid;
	s1 =	stileid.u32;
	s2 =	simm.s32 $0x0  }
0x5: {  	s10 =	simm.s32 $0x80;
	s11 =	simm.s32 $0x400;
	s5 =	sand.u32 $0x1, s5  }
0x6: {  	s6 =	sshll.u32 s1, $0x1;
	[smem:$0x7FF] =	sst s2;
	s8 =	sshll.u32 s1, $0xC  }
0x7: {  	s6 =	sor.u32 s5, s6;
	_ =	strace $0x8000004D;
	s5 =	ssub.s32 $0x2, s5  }
0x8: {  	s8 =	sand.u32 $0xC000, s8;
	s7 =	sshll.u32 s6, $0xC;
	s6 =	sshll.u32 s6, $0x4  }
0x9: {  	s9 =	sshrl.u32 s5, $0x1;
	s8 =	sadd.s32 s4, s8;
	s7 =	sadd.s32 s7, s3  }
0xa: {  	s3 =	sadd.s32 $0x21E00, s3;
	s6 =	sand.u32 $0x70, s6;
	s9 =	ssub.s32 s5, s9  }
0xb: {  	s4 =	sadd.s32 $0x1E00, s7;
	s5 =	sadd.s32 s6, s8;
	s6 =	smax.u32 s9, $0x1  }
0xc: {  	v0 =	vimm.s32 $0x0;
	v1 =	vlaneseq.u32;
	v2 =	vimm.s32 $0x1;
	s7 =	simm.s32 $0xC000;
	s8 =	simm.s32 $0x1;
	s9 =	simm.s32 $0x8000  }
.LBB2_1:
0xd: {  	s12 =	simm.s32 $0x0;
	s13 =	simm.s32 $0x200  }
.LBB2_2:
0xe: {  	p0 =	sne.s32 s13, $0xFE00;
	[tilespmem:s12+$0x8070] =	vst v0  }
0xf: {  	[tilespmem:s12+$0x8000] =	vst v0  }
0x10: {  	[tilespmem:s12+$0x8010] =	vst v0  }
.Ltmp0:
0x11: {  	[tilespmem:s12+$0x8020] =	vst v0;
	(pc) =	sbr.rel @p0 .LBB2_2-.Ltmp0, $4  }
0x12: {  	[tilespmem:s12+$0x8030] =	vst v0  }
0x13: {  	[tilespmem:s12+$0x8040] =	vst v0  }
0x14: {  	[tilespmem:s12+$0x8050] =	vst v0  }
0x15: {  	[tilespmem:s12+$0x8060] =	vst v0;
	s12 =	sshra.s32 s13, $0x2;
	s13 =	sadd.s32 $0x200, s13  }
0x16: {  	[tilespmem:s12+$0x8070] =	vst v0  }
0x17: {  	[tilespmem:s12+$0x8000] =	vst v0  }
0x18: {  	[tilespmem:s12+$0x8010] =	vst v0  }
0x19: {  	[tilespmem:s12+$0x8020] =	vst v0  }
0x1a: {  	[tilespmem:s12+$0x8030] =	vst v0  }
0x1b: {  	[tilespmem:s12+$0x8040] =	vst v0  }
0x1c: {  	[tilespmem:s12+$0x8050] =	vst v0  }
0x1d: {  	[tilespmem:s12+$0x8060] =	vst v0;
	s12 =	simm.s32 $0x0  }
0x1e: {  	[tilespmem:s7], [sflag:$0x1] =	stream.linear.gather [hbm4b:s3+s12], $0x80, $0x38;
	[tilespmem:$0xC080] =	vst v63  }
0x1f: {  	_ =	swait.ge [sflag:s8], $0x80  }
0x20: {  	[sflag:s8] =	ssyncset.done $0x0  }
0x21: {  	[sflag:s8] =	ssyncadd.s32 $0xFFFFFF80  }
0x22: {  	v3 =	vld [tilespmem:$0xC000];
	[tilespmem:s12], [sflag:$0x1] =	stream.linear.gather [hbm4b:s4+s12], $0x8000, $0x38  }
0x23: {  	_ =	swait.ge [sflag:s8], $0x8000  }
0x24: {  	[sflag:s8] =	ssyncset.done $0x0  }
0x25: {  	[sflag:s8] =	ssyncadd.s32 $0xFFFF8000  }
.LBB2_4:
0x26: {  	s13 =	sshra.s32 s12, $0x2  }
0x27: {  	v4 =	vld [tilespmem:s13+$0x0];
	_ =	sdelay $0x4  }
0x28: {  	v5 =	vshll.u32 v4, $0x4;
	v4 =	vshra.s32 v4, $0xA  }
0x29: {  	v5 =	vor.u32 v1, v5;
	vm0 =	veq.s32 v4, v3  }
0x2a: {  	v4 =	vand.u32 $0x3FFF, v5;
	_ =	sdelay $0x4  }
0x2b: {  	[tilespmem:v4+s9+$0x0] =	vst.idx.add.s32.msk vm0, v2  }
0x2c: {  	v4 =	vld [tilespmem:s13+$0x10];
	_ =	sdelay $0x4  }
0x2d: {  	v5 =	vshll.u32 v4, $0x4;
	v4 =	vshra.s32 v4, $0xA  }
0x2e: {  	v5 =	vor.u32 v1, v5;
	vm13 =	veq.s32 v4, v3  }
0x2f: {  	v4 =	vand.u32 $0x3FFF, v5;
	_ =	sdelay $0x4  }
0x30: {  	[tilespmem:v4+s9+$0x0] =	vst.idx.add.s32.msk vm13, v2  }
0x31: {  	v4 =	vld [tilespmem:s13+$0x20];
	_ =	sdelay $0x4  }
0x32: {  	v5 =	vshll.u32 v4, $0x4;
	v4 =	vshra.s32 v4, $0xA  }
0x33: {  	v5 =	vor.u32 v1, v5;
	vm14 =	veq.s32 v4, v3  }
0x34: {  	v4 =	vand.u32 $0x3FFF, v5;
	_ =	sdelay $0x4  }
0x35: {  	[tilespmem:v4+s9+$0x0] =	vst.idx.add.s32.msk vm14, v2  }
0x36: {  	v4 =	vld [tilespmem:s13+$0x30];
	_ =	sdelay $0x4  }
0x37: {  	v5 =	vshll.u32 v4, $0x4;
	v4 =	vshra.s32 v4, $0xA  }
0x38: {  	v5 =	vor.u32 v1, v5;
	vm15 =	veq.s32 v4, v3  }
0x39: {  	p0 =	sne.s32 s12, $0x1FF00;
	v4 =	vand.u32 $0x3FFF, v5  }
.Ltmp1:
0x3a: {  	_ = 	snop;
	(pc) =	sbr.rel @p0 .LBB2_4-.Ltmp1, $2  }
0x3b: {  	_ =	sdelay $0x2  }
0x3c: {  	s12 =	sadd.s32 $0x100, s12;
	[tilespmem:v4+s9+$0x0] =	vst.idx.add.s32.msk vm15, v2  }
0x3d: {  	s2 =	sadd.s32 $0x1, s2  }
0x3e: {  	p0 =	sne.s32 s2, s6  }
.Ltmp2:
0x3f: {  	_ = 	snop;
	(pc) =	sbr.rel @p0 .LBB2_1-.Ltmp2, $4  }
0x40: {  	[hbm4b:s5+s10] =	stream.strided.scatter [tilespmem:s9], [sflag:$0x1], $0x4000, s11, s10, $0x38;
	[tilespmem:$0xC080] =	vst v63  }
0x41: {  	_ =	swait.ge [sflag:s8], $0x4000  }
0x42: {  	[sflag:s8] =	ssyncset.done $0x0  }
0x43: {  	[sflag:s8] =	ssyncadd.s32 $0xFFFFC000  }
0x44: {  	_ =	sfence.sel $0x180000  }
0x45: {  	[bflag:$0x0] =	sbarrier.arrive $0xFFFF  }
0x46: {  	p0 =	sne.s32 s1, $0x0;
	_ =	strace $0x9000004D  }
0x47: {  	s0 =	sadd.s32 @!p0 $0x100000, s0;
	[bflag:$0x2] =	sbarrier.arrive $0xFFFF  }
0x48: {  	[sflag:s0] =	ssyncadd.tile.s32 @!p0 $0x1;
	_ =	shalt  }
.Lfunc_end2:
_tile_overlayer_lowered:
.L_overlay_start_2:
0x49: {  	(tag) =	ssettag $0x2  }
0x4a: {  	s0 =	rddreg [dreg:$0x0];
	s2 =	stileid.u32  }
0x4b: {  	s1 =	rddreg [dreg:$0x1];
	p0 =	sne.s32 s2, $0x0  }
0x4c: {  	s3 =	rddreg [dreg:$0x2];
	[bflag:$0x3] =	sbarrier.arrive $0xFFFF;
	s2 =	simm.s32 @!p0 $0x1C01  }
0x4d: {  	[timem:s3], [sflag:s2] =	dma.local @!p0 [hbm:s0], s1  }
0x4e: {  	s0 =	simm.s32 @!p0 $0x1  }
0x4f: {  	_ =	swait.ge @!p0 [sflag:s0], s1  }
0x50: {  	s1 =	ssub.s32 @!p0 $0x0, s1;
	[sflag:s0] =	ssyncset.done @!p0 $0x0  }
0x51: {  	[sflag:s0] =	ssyncadd.s32 @!p0 s1  }
0x52: {  	[bflag:$0x3] =	sbarrier.arrive $0xFFFF  }
0x53: {  	_ =	shalt  }

</sc_bundles>
